<compile_context>
chip_gen: v7x
topology: tpu7x:2x2x1
jax: 0.10.2.dev20260603
libtpu: 0.0.44.dev20260713+nightly
codegen_flags: <defaults>
</compile_context>

<pallas_src>
import functools

import jax
import jax.numpy as jnp
from jax import lax
from jax.experimental import pallas as pl
from jax.experimental.pallas import tpu as pltpu
from jax.experimental.pallas import tpu_sc as plsc

ALPHA = 0.2
NC = 2
NS = 16
NW = NC * NS
CH = 128
PAD = 16


def _proj_body(h_ref, w_ref, a_ref, hp_ref, as_ref, ad_ref):
    d = w_ref.shape[0]
    rb = h_ref.shape[0]
    hp = jnp.dot(h_ref[...], w_ref[...], preferred_element_type=jnp.float32)
    lane = lax.broadcasted_iota(jnp.int32, (rb, PAD), 1)
    ones = jnp.where(lane == 0, 1.0, 0.0).astype(jnp.float32)
    hp_ref[...] = jnp.concatenate([hp, ones], axis=1)
    as_ref[...] = jnp.dot(hp, a_ref[:d, :], preferred_element_type=jnp.float32)
    ad_ref[...] = jnp.dot(hp, a_ref[d:, :], preferred_element_type=jnp.float32)


def _make_proj(n, d, rb):
    return pl.pallas_call(
        _proj_body,
        grid=(n // rb,),
        in_specs=[
            pl.BlockSpec((rb, d), lambda i: (i, 0)),
            pl.BlockSpec((d, d), lambda i: (0, 0)),
            pl.BlockSpec((2 * d, 1), lambda i: (0, 0)),
        ],
        out_specs=[
            pl.BlockSpec((rb, d + PAD), lambda i: (i, 0)),
            pl.BlockSpec((rb, 1), lambda i: (i, 0)),
            pl.BlockSpec((rb, 1), lambda i: (i, 0)),
        ],
        out_shape=[
            jax.ShapeDtypeStruct((n, d + PAD), jnp.float32),
            jax.ShapeDtypeStruct((n, 1), jnp.float32),
            jax.ShapeDtypeStruct((n, 1), jnp.float32),
        ],
    )


def _make_edge(n, e, d):
    da = d + PAD
    epw = e // NW
    nfull = epw // CH
    tail = epw - nfull * CH
    assert tail % 16 == 0
    rpt = n // NS
    zblk = rpt // 5
    mesh = plsc.VectorSubcoreMesh(core_axis_name="c", subcore_axis_name="s")

    @functools.partial(
        pl.kernel,
        out_type=jax.ShapeDtypeStruct((NC, n, da), jnp.float32),
        mesh=mesh,
        scratch_types=[
            pltpu.VMEM((n,), jnp.float32),
            pltpu.VMEM((n,), jnp.float32),
            pltpu.VMEM((CH,), jnp.int32),
            pltpu.VMEM((CH,), jnp.int32),
            pltpu.VMEM((CH,), jnp.float32),
            pltpu.VMEM((CH, da), jnp.float32),
            pltpu.VMEM_SHARED((n, da), jnp.float32),
            pltpu.SemaphoreType.DMA,
        ],
        compiler_params=pltpu.CompilerParams(
            use_tc_tiling_on_sc=False, needs_layout_passes=False),
    )
    def edge_kernel(asrc_hbm, adst_hbm, src_hbm, dst_hbm, hp_hbm, out_hbm,
                    asrc_v, adst_v, sidx, didx, e_chunk, rows, acc, gsem):
        c = lax.axis_index("c")
        s = lax.axis_index("s")
        wid = c * NS + s
        ebase = wid * epw
        row0 = s * rpt
        zf = jnp.zeros((16,), jnp.float32)
        zi = jnp.zeros((16,), jnp.int32)

        pltpu.sync_copy(asrc_hbm, asrc_v)
        pltpu.sync_copy(adst_hbm, adst_v)

        def _zrow(i, carry):
            for r in range(da // 16):
                rows[i, pl.ds(r * 16, 16)] = zf
            return carry
        lax.fori_loop(0, CH, _zrow, 0)
        for j in range(5):
            pltpu.sync_copy(rows.at[pl.ds(0, zblk), :],
                            acc.at[pl.ds(row0 + j * zblk, zblk), :])

        def _mx(i, m):
            return jnp.maximum(m, asrc_v[pl.ds(i * 16, 16)])
        ms = jnp.max(lax.fori_loop(0, n // 16, _mx,
                                   jnp.full((16,), -jnp.inf, jnp.float32)))
        def _mx2(i, m):
            return jnp.maximum(m, adst_v[pl.ds(i * 16, 16)])
        md = jnp.max(lax.fori_loop(0, n // 16, _mx2,
                                   jnp.full((16,), -jnp.inf, jnp.float32)))
        raw = ms + md
        shift = jnp.where(raw >= 0.0, raw, ALPHA * raw)

        plsc.subcore_barrier()

        def _e_group(g, carry):
            si = sidx[pl.ds(g * 16, 16)]
            di = didx[pl.ds(g * 16, 16)]
            av = plsc.load_gather(asrc_v, [si])
            bv = plsc.load_gather(adst_v, [di])
            att = av + bv
            att = jnp.where(att >= 0.0, att, ALPHA * att)
            e_chunk[pl.ds(g * 16, 16)] = jnp.exp(att - shift)
            return carry

        def _scale_edge(i, carry):
            ev = plsc.load_gather(e_chunk, [jnp.full((16,), i, jnp.int32)])
            for r in range(da // 16):
                rows[i, pl.ds(r * 16, 16)] = rows[i, pl.ds(r * 16, 16)] * ev
            return carry

        def _do_chunk(k, nedge):
            pltpu.sync_copy(src_hbm.at[pl.ds(ebase + k * CH, nedge)],
                            sidx.at[pl.ds(0, nedge)])
            pltpu.sync_copy(dst_hbm.at[pl.ds(ebase + k * CH, nedge)],
                            didx.at[pl.ds(0, nedge)])
            cp = pltpu.async_copy(hp_hbm.at[sidx], rows, gsem)
            lax.fori_loop(0, nedge // 16, _e_group, 0)
            cp.wait()
            lax.fori_loop(0, CH, _scale_edge, 0)
            pltpu.sync_copy(rows, acc.at[didx], add=True)

        def _chunk(k, carry):
            _do_chunk(k, CH)
            return carry
        lax.fori_loop(0, nfull, _chunk, 0)

        if tail:
            for r in range(CH // 16):
                sidx[pl.ds(r * 16, 16)] = zi
                didx[pl.ds(r * 16, 16)] = zi
                e_chunk[pl.ds(r * 16, 16)] = zf
            _do_chunk(nfull, tail)

        plsc.subcore_barrier()

        pltpu.sync_copy(acc.at[pl.ds(row0, rpt), :],
                        out_hbm.at[c, pl.ds(row0, rpt), :])

    return edge_kernel


def _comb_body(p_ref, o_ref):
    d = o_ref.shape[-1]
    ssum = p_ref[0] + p_ref[1]
    num = ssum[:, :d]
    den = ssum[:, d:d + 1]
    o_ref[...] = jnp.where(den > 0.0, num / den, 0.0)


def _make_comb(n, d, rb):
    return pl.pallas_call(
        _comb_body,
        grid=(n // rb,),
        in_specs=[pl.BlockSpec((NC, rb, d + PAD), lambda i: (0, i, 0))],
        out_specs=pl.BlockSpec((rb, d), lambda i: (i, 0)),
        out_shape=jax.ShapeDtypeStruct((n, d), jnp.float32),
    )


def kernel(h, adj_indices, W, a):
    n, d = h.shape
    e = adj_indices.shape[1]
    src = adj_indices[0]
    dst = adj_indices[1]

    hp, as2, ad2 = _make_proj(n, d, 2000)(h, W, a)
    asrc = as2.reshape(n)
    adst = ad2.reshape(n)

    parts = _make_edge(n, e, d)(asrc, adst, src, dst, hp)
    out = _make_comb(n, d, 2000)(parts)
    return out

# --- scband reference (transcript-rebuilt; emitter-appended) ---
"""Pipeline reference for scband-gatlayer-24154896072818 (READ-ONLY COPY).

The authoritative reference and input builder live on the scoring server;
editing this copy changes nothing except your own understanding.
"""

import jax, jax.numpy as jnp
import numpy as np

N = 10000
E = 320000
IN_DIM = 128
OUT_DIM = 128
NUM_HEADS = 1
ALPHA = 0.2


def setup_inputs(seed: int = 0) -> dict:
    key = jax.random.key(seed)
    k1, k2, k3, k4 = jax.random.split(key, 4)
    h = jax.random.normal(k1, (N, IN_DIM), dtype=jnp.float32)
    adj_indices = jax.random.randint(k2, (2, E), 0, N, dtype=jnp.int32)
    # xavier_uniform-like init with gain 1.414
    w_bound = 1.414 * np.sqrt(6.0 / (IN_DIM + OUT_DIM * NUM_HEADS))
    W = jax.random.uniform(k3, (IN_DIM, OUT_DIM * NUM_HEADS), minval=-w_bound, maxval=w_bound, dtype=jnp.float32)
    a_bound = 1.414 * np.sqrt(6.0 / (2 * OUT_DIM + NUM_HEADS))
    a = jax.random.uniform(k4, (2 * OUT_DIM, NUM_HEADS), minval=-a_bound, maxval=a_bound, dtype=jnp.float32)
    return {"h": h, "adj_indices": adj_indices, "W": W, "a": a}


def _scatter_softmax(att, dst, num_nodes):
    m = jax.ops.segment_max(att, dst, num_segments=num_nodes)
    m = jnp.where(jnp.isfinite(m), m, 0.0)
    e = jnp.exp(att - m[dst])
    denom = jax.ops.segment_sum(e, dst, num_segments=num_nodes)
    return e / denom[dst]


def reference(h, adj_indices, W, a):
    num_nodes = h.shape[0]
    h_prime = jnp.matmul(h, W)
    h_prime = h_prime.reshape(-1, NUM_HEADS, OUT_DIM)
    src_nodes = adj_indices[0]
    dst_nodes = adj_indices[1]
    head_outputs = []
    for head in range(NUM_HEADS):
        hp = h_prime[:, head, :]
        h_src = hp[src_nodes]
        h_dst = hp[dst_nodes]
        edge_features = jnp.concatenate([h_src, h_dst], axis=-1)
        att = (edge_features * a[:, head][None, :]).sum(axis=-1)
        att = jnp.where(att >= 0, att, ALPHA * att)  # leaky_relu
        att = _scatter_softmax(att, dst_nodes, num_nodes)
        aggregated = jax.ops.segment_sum(att[:, None] * h_src, dst_nodes, num_segments=num_nodes)
        head_outputs.append(aggregated)
    out = jnp.concatenate(head_outputs, axis=-1)
    # dropout p=0.0 (eval) -> identity
    return out

if __name__ == "__main__":
    import jax
    _d = setup_inputs()
    print(jax.jit(kernel)(*tuple(_d.values())))

</pallas_src>

<mosaic_0001>
#map = affine_map<(d0, d1) -> (0)>
#map1 = affine_map<(d0, d1) -> (0, 0)>
#map2 = affine_map<(d0, d1) -> (0, 0, 0)>
module attributes {stable_mosaic.version = 14 : i64} {
  func.func @edge_kernel(%arg0: i32, %arg1: i32, %arg2: memref<10000xf32, #tpu.memory_space<hbm>>, %arg3: memref<10000xf32, #tpu.memory_space<hbm>>, %arg4: memref<320000xi32, #tpu.memory_space<hbm>>, %arg5: memref<320000xi32, #tpu.memory_space<hbm>>, %arg6: memref<10000x144xf32, #tpu.memory_space<hbm>>, %arg7: memref<2x10000x144xf32, #tpu.memory_space<hbm>>, %arg8: memref<10000xf32, #tpu.memory_space<vmem>>, %arg9: memref<10000xf32, #tpu.memory_space<vmem>>, %arg10: memref<128xi32, #tpu.memory_space<vmem>>, %arg11: memref<128xi32, #tpu.memory_space<vmem>>, %arg12: memref<128xf32, #tpu.memory_space<vmem>>, %arg13: memref<128x144xf32, #tpu.memory_space<vmem>>, %arg14: memref<10000x144xf32, #tpu.memory_space<vmem_shared>>, %arg15: memref<!tpu.dma_semaphore, #tpu.memory_space<semaphore_mem>>) attributes {dimension_semantics = [#tpu.dimension_semantics<core_parallel>, #tpu.dimension_semantics<subcore_parallel>], iteration_bounds = array<i64: 2, 16>, scalar_prefetch = 0 : i64, scratch_operands = 8 : i64, tpu.core_type = #tpu.core_type<sc_vector_subcore>, window_params = [{transform_indices = #map}, {transform_indices = #map}, {transform_indices = #map}, {transform_indices = #map}, {transform_indices = #map1}, {transform_indices = #map2}]} {
    %mul3A = arith.constant 16 : i32
    %mul3A_0 = arith.muli %arg0, %mul3A : i32
    %add3A = arith.addi %mul3A_0, %arg1 : i32
    %mul3A_1 = arith.constant 10000 : i32
    %mul3A_2 = arith.muli %add3A, %mul3A_1 : i32
    %mul3A_3 = arith.constant 625 : i32
    %mul3A_4 = arith.muli %arg1, %mul3A_3 : i32
    %broadcast_in_dim3A = arith.constant 0.000000e+00 : f32
    %broadcast_in_dim3A_5 = vector.broadcast %broadcast_in_dim3A : f32 to vector<16xf32>
    %broadcast_in_dim3A_6 = arith.constant 0 : i32
    %broadcast_in_dim3A_7 = vector.broadcast %broadcast_in_dim3A_6 : i32 to vector<16xi32>
    "tpu.region"() ({
      %run_scoped3A = tpu.sem_alloc : memref<!tpu.dma_semaphore, #tpu.memory_space<semaphore_mem>>
      tpu.enqueue_dma source(%arg2 : memref<10000xf32, #tpu.memory_space<hbm>>) target(%arg8 : memref<10000xf32, #tpu.memory_space<vmem>>) target_semaphore(%run_scoped3A : memref<!tpu.dma_semaphore, #tpu.memory_space<semaphore_mem>>)
      tpu.wait_dma2 semaphore(%run_scoped3A : memref<!tpu.dma_semaphore, #tpu.memory_space<semaphore_mem>>) src(%arg2 : memref<10000xf32, #tpu.memory_space<hbm>>) dst(%arg8 : memref<10000xf32, #tpu.memory_space<vmem>>)
      tpu.yield
    }) : () -> ()
    "tpu.region"() ({
      %run_scoped3A = tpu.sem_alloc : memref<!tpu.dma_semaphore, #tpu.memory_space<semaphore_mem>>
      tpu.enqueue_dma source(%arg3 : memref<10000xf32, #tpu.memory_space<hbm>>) target(%arg9 : memref<10000xf32, #tpu.memory_space<vmem>>) target_semaphore(%run_scoped3A : memref<!tpu.dma_semaphore, #tpu.memory_space<semaphore_mem>>)
      tpu.wait_dma2 semaphore(%run_scoped3A : memref<!tpu.dma_semaphore, #tpu.memory_space<semaphore_mem>>) src(%arg3 : memref<10000xf32, #tpu.memory_space<hbm>>) dst(%arg9 : memref<10000xf32, #tpu.memory_space<vmem>>)
      tpu.yield
    }) : () -> ()
    %scan3A = arith.constant 0 : i32
    %scan3A_8 = arith.constant 0 : i32
    %scan3A_9 = arith.constant 128 : i32
    %scan3A_10 = arith.addi %scan3A_8, %scan3A_9 : i32
    %scan3A_11 = arith.constant 1 : i32
    scf.for %scan3A_142 = %scan3A_8 to %scan3A_10 step %scan3A_11  : i32 {
      %swap3A_143 = arith.index_cast %scan3A_142 : i32 to index
      %swap3A_144 = arith.constant 0 : index
      %swap3A_145 = tpu.vector_load %arg13[%swap3A_143, %swap3A_144] {strides = array<i32>} : memref<128x144xf32, #tpu.memory_space<vmem>>, vector<16xf32>,
      tpu.vector_store %arg13[%swap3A_143, %swap3A_144], %broadcast_in_dim3A_5 {strides = array<i32>} : memref<128x144xf32, #tpu.memory_space<vmem>>, vector<16xf32>,
      %swap3A_146 = arith.index_cast %scan3A_142 : i32 to index
      %swap3A_147 = arith.constant 16 : index
      %swap3A_148 = tpu.vector_load %arg13[%swap3A_146, %swap3A_147] {strides = array<i32>} : memref<128x144xf32, #tpu.memory_space<vmem>>, vector<16xf32>,
      tpu.vector_store %arg13[%swap3A_146, %swap3A_147], %broadcast_in_dim3A_5 {strides = array<i32>} : memref<128x144xf32, #tpu.memory_space<vmem>>, vector<16xf32>,
      %swap3A_149 = arith.index_cast %scan3A_142 : i32 to index
      %swap3A_150 = arith.constant 32 : index
      %swap3A_151 = tpu.vector_load %arg13[%swap3A_149, %swap3A_150] {strides = array<i32>} : memref<128x144xf32, #tpu.memory_space<vmem>>, vector<16xf32>,
      tpu.vector_store %arg13[%swap3A_149, %swap3A_150], %broadcast_in_dim3A_5 {strides = array<i32>} : memref<128x144xf32, #tpu.memory_space<vmem>>, vector<16xf32>,
      %swap3A_152 = arith.index_cast %scan3A_142 : i32 to index
      %swap3A_153 = arith.constant 48 : index
      %swap3A_154 = tpu.vector_load %arg13[%swap3A_152, %swap3A_153] {strides = array<i32>} : memref<128x144xf32, #tpu.memory_space<vmem>>, vector<16xf32>,
      tpu.vector_store %arg13[%swap3A_152, %swap3A_153], %broadcast_in_dim3A_5 {strides = array<i32>} : memref<128x144xf32, #tpu.memory_space<vmem>>, vector<16xf32>,
      %swap3A_155 = arith.index_cast %scan3A_142 : i32 to index
      %swap3A_156 = arith.constant 64 : index
      %swap3A_157 = tpu.vector_load %arg13[%swap3A_155, %swap3A_156] {strides = array<i32>} : memref<128x144xf32, #tpu.memory_space<vmem>>, vector<16xf32>,
      tpu.vector_store %arg13[%swap3A_155, %swap3A_156], %broadcast_in_dim3A_5 {strides = array<i32>} : memref<128x144xf32, #tpu.memory_space<vmem>>, vector<16xf32>,
      %swap3A_158 = arith.index_cast %scan3A_142 : i32 to index
      %swap3A_159 = arith.constant 80 : index
      %swap3A_160 = tpu.vector_load %arg13[%swap3A_158, %swap3A_159] {strides = array<i32>} : memref<128x144xf32, #tpu.memory_space<vmem>>, vector<16xf32>,
      tpu.vector_store %arg13[%swap3A_158, %swap3A_159], %broadcast_in_dim3A_5 {strides = array<i32>} : memref<128x144xf32, #tpu.memory_space<vmem>>, vector<16xf32>,
      %swap3A_161 = arith.index_cast %scan3A_142 : i32 to index
      %swap3A_162 = arith.constant 96 : index
      %swap3A_163 = tpu.vector_load %arg13[%swap3A_161, %swap3A_162] {strides = array<i32>} : memref<128x144xf32, #tpu.memory_space<vmem>>, vector<16xf32>,
      tpu.vector_store %arg13[%swap3A_161, %swap3A_162], %broadcast_in_dim3A_5 {strides = array<i32>} : memref<128x144xf32, #tpu.memory_space<vmem>>, vector<16xf32>,
      %swap3A_164 = arith.index_cast %scan3A_142 : i32 to index
      %swap3A_165 = arith.constant 112 : index
      %swap3A_166 = tpu.vector_load %arg13[%swap3A_164, %swap3A_165] {strides = array<i32>} : memref<128x144xf32, #tpu.memory_space<vmem>>, vector<16xf32>,
      tpu.vector_store %arg13[%swap3A_164, %swap3A_165], %broadcast_in_dim3A_5 {strides = array<i32>} : memref<128x144xf32, #tpu.memory_space<vmem>>, vector<16xf32>,
      %swap3A_167 = arith.index_cast %scan3A_142 : i32 to index
      %swap3A_168 = arith.constant 128 : index
      %swap3A_169 = tpu.vector_load %arg13[%swap3A_167, %swap3A_168] {strides = array<i32>} : memref<128x144xf32, #tpu.memory_space<vmem>>, vector<16xf32>,
      tpu.vector_store %arg13[%swap3A_167, %swap3A_168], %broadcast_in_dim3A_5 {strides = array<i32>} : memref<128x144xf32, #tpu.memory_space<vmem>>, vector<16xf32>,
    }
    %scan3A_12 = arith.constant 128 : i32
    %add3A_13 = arith.constant 0 : i32
    %add3A_14 = arith.addi %mul3A_4, %add3A_13 : i32
    "tpu.region"() ({
      %run_scoped3A = tpu.sem_alloc : memref<!tpu.dma_semaphore, #tpu.memory_space<semaphore_mem>>
      %dma_start3A_142 = arith.constant 0 : i32
      %dma_start3A_143 = arith.constant 0 : i32
      %dma_start3A_144 = tpu.memref_slice %arg13[%dma_start3A_142, %dma_start3A_143] : memref<128x144xf32, #tpu.memory_space<vmem>> -> memref<125x144xf32, #tpu.memory_space<vmem>>
      %dma_start3A_145 = arith.constant 0 : i32
      %dma_start3A_146 = tpu.memref_slice %arg14[%add3A_14, %dma_start3A_145] : memref<10000x144xf32, #tpu.memory_space<vmem_shared>> -> memref<125x144xf32, #tpu.memory_space<vmem_shared>>
      %dma_start3A_147 = arith.constant 0 : i32
      %dma_start3A_148 = tpu.memref_slice %arg14[%add3A_14, %dma_start3A_147] : memref<10000x144xf32, #tpu.memory_space<vmem_shared>> -> memref<125x144xf32, #tpu.memory_space<vmem_shared>>
      %dma_start3A_149 = arith.constant 0 : i32
      %dma_start3A_150 = arith.constant 0 : i32
      %dma_start3A_151 = tpu.memref_slice %arg13[%dma_start3A_149, %dma_start3A_150] : memref<128x144xf32, #tpu.memory_space<vmem>> -> memref<125x144xf32, #tpu.memory_space<vmem>>
      tpu.enqueue_dma source(%dma_start3A_151 : memref<125x144xf32, #tpu.memory_space<vmem>>) target(%dma_start3A_148 : memref<125x144xf32, #tpu.memory_space<vmem_shared>>) target_semaphore(%run_scoped3A : memref<!tpu.dma_semaphore, #tpu.memory_space<semaphore_mem>>)
      %dma_wait3A_152 = arith.constant 0 : i32
      %dma_wait3A_153 = arith.constant 0 : i32
      %dma_wait3A_154 = tpu.memref_slice %arg13[%dma_wait3A_152, %dma_wait3A_153] : memref<128x144xf32, #tpu.memory_space<vmem>> -> memref<125x144xf32, #tpu.memory_space<vmem>>
      %dma_wait3A_155 = arith.constant 0 : i32
      %dma_wait3A_156 = tpu.memref_slice %arg14[%add3A_14, %dma_wait3A_155] : memref<10000x144xf32, #tpu.memory_space<vmem_shared>> -> memref<125x144xf32, #tpu.memory_space<vmem_shared>>
      %dma_wait3A_157 = arith.constant 0 : i32
      %dma_wait3A_158 = tpu.memref_slice %arg14[%add3A_14, %dma_wait3A_157] : memref<10000x144xf32, #tpu.memory_space<vmem_shared>> -> memref<125x144xf32, #tpu.memory_space<vmem_shared>>
      %dma_wait3A_159 = arith.constant 0 : i32
      %dma_wait3A_160 = arith.constant 0 : i32
      %dma_wait3A_161 = tpu.memref_slice %arg13[%dma_wait3A_159, %dma_wait3A_160] : memref<128x144xf32, #tpu.memory_space<vmem>> -> memref<125x144xf32, #tpu.memory_space<vmem>>
      tpu.wait_dma2 semaphore(%run_scoped3A : memref<!tpu.dma_semaphore, #tpu.memory_space<semaphore_mem>>) src(%dma_wait3A_161 : memref<125x144xf32, #tpu.memory_space<vmem>>) dst(%dma_wait3A_158 : memref<125x144xf32, #tpu.memory_space<vmem_shared>>)
      tpu.yield
    }) : () -> ()
    %add3A_15 = arith.constant 125 : i32
    %add3A_16 = arith.addi %mul3A_4, %add3A_15 : i32
    "tpu.region"() ({
      %run_scoped3A = tpu.sem_alloc : memref<!tpu.dma_semaphore, #tpu.memory_space<semaphore_mem>>
      %dma_start3A_142 = arith.constant 0 : i32
      %dma_start3A_143 = arith.constant 0 : i32
      %dma_start3A_144 = tpu.memref_slice %arg13[%dma_start3A_142, %dma_start3A_143] : memref<128x144xf32, #tpu.memory_space<vmem>> -> memref<125x144xf32, #tpu.memory_space<vmem>>
      %dma_start3A_145 = arith.constant 0 : i32
      %dma_start3A_146 = tpu.memref_slice %arg14[%add3A_16, %dma_start3A_145] : memref<10000x144xf32, #tpu.memory_space<vmem_shared>> -> memref<125x144xf32, #tpu.memory_space<vmem_shared>>
      %dma_start3A_147 = arith.constant 0 : i32
      %dma_start3A_148 = tpu.memref_slice %arg14[%add3A_16, %dma_start3A_147] : memref<10000x144xf32, #tpu.memory_space<vmem_shared>> -> memref<125x144xf32, #tpu.memory_space<vmem_shared>>
      %dma_start3A_149 = arith.constant 0 : i32
      %dma_start3A_150 = arith.constant 0 : i32
      %dma_start3A_151 = tpu.memref_slice %arg13[%dma_start3A_149, %dma_start3A_150] : memref<128x144xf32, #tpu.memory_space<vmem>> -> memref<125x144xf32, #tpu.memory_space<vmem>>
      tpu.enqueue_dma source(%dma_start3A_151 : memref<125x144xf32, #tpu.memory_space<vmem>>) target(%dma_start3A_148 : memref<125x144xf32, #tpu.memory_space<vmem_shared>>) target_semaphore(%run_scoped3A : memref<!tpu.dma_semaphore, #tpu.memory_space<semaphore_mem>>)
      %dma_wait3A_152 = arith.constant 0 : i32
      %dma_wait3A_153 = arith.constant 0 : i32
      %dma_wait3A_154 = tpu.memref_slice %arg13[%dma_wait3A_152, %dma_wait3A_153] : memref<128x144xf32, #tpu.memory_space<vmem>> -> memref<125x144xf32, #tpu.memory_space<vmem>>
      %dma_wait3A_155 = arith.constant 0 : i32
      %dma_wait3A_156 = tpu.memref_slice %arg14[%add3A_16, %dma_wait3A_155] : memref<10000x144xf32, #tpu.memory_space<vmem_shared>> -> memref<125x144xf32, #tpu.memory_space<vmem_shared>>
      %dma_wait3A_157 = arith.constant 0 : i32
      %dma_wait3A_158 = tpu.memref_slice %arg14[%add3A_16, %dma_wait3A_157] : memref<10000x144xf32, #tpu.memory_space<vmem_shared>> -> memref<125x144xf32, #tpu.memory_space<vmem_shared>>
      %dma_wait3A_159 = arith.constant 0 : i32
      %dma_wait3A_160 = arith.constant 0 : i32
      %dma_wait3A_161 = tpu.memref_slice %arg13[%dma_wait3A_159, %dma_wait3A_160] : memref<128x144xf32, #tpu.memory_space<vmem>> -> memref<125x144xf32, #tpu.memory_space<vmem>>
      tpu.wait_dma2 semaphore(%run_scoped3A : memref<!tpu.dma_semaphore, #tpu.memory_space<semaphore_mem>>) src(%dma_wait3A_161 : memref<125x144xf32, #tpu.memory_space<vmem>>) dst(%dma_wait3A_158 : memref<125x144xf32, #tpu.memory_space<vmem_shared>>)
      tpu.yield
    }) : () -> ()
    %add3A_17 = arith.constant 250 : i32
    %add3A_18 = arith.addi %mul3A_4, %add3A_17 : i32
    "tpu.region"() ({
      %run_scoped3A = tpu.sem_alloc : memref<!tpu.dma_semaphore, #tpu.memory_space<semaphore_mem>>
      %dma_start3A_142 = arith.constant 0 : i32
      %dma_start3A_143 = arith.constant 0 : i32
      %dma_start3A_144 = tpu.memref_slice %arg13[%dma_start3A_142, %dma_start3A_143] : memref<128x144xf32, #tpu.memory_space<vmem>> -> memref<125x144xf32, #tpu.memory_space<vmem>>
      %dma_start3A_145 = arith.constant 0 : i32
      %dma_start3A_146 = tpu.memref_slice %arg14[%add3A_18, %dma_start3A_145] : memref<10000x144xf32, #tpu.memory_space<vmem_shared>> -> memref<125x144xf32, #tpu.memory_space<vmem_shared>>
      %dma_start3A_147 = arith.constant 0 : i32
      %dma_start3A_148 = tpu.memref_slice %arg14[%add3A_18, %dma_start3A_147] : memref<10000x144xf32, #tpu.memory_space<vmem_shared>> -> memref<125x144xf32, #tpu.memory_space<vmem_shared>>
      %dma_start3A_149 = arith.constant 0 : i32
      %dma_start3A_150 = arith.constant 0 : i32
      %dma_start3A_151 = tpu.memref_slice %arg13[%dma_start3A_149, %dma_start3A_150] : memref<128x144xf32, #tpu.memory_space<vmem>> -> memref<125x144xf32, #tpu.memory_space<vmem>>
      tpu.enqueue_dma source(%dma_start3A_151 : memref<125x144xf32, #tpu.memory_space<vmem>>) target(%dma_start3A_148 : memref<125x144xf32, #tpu.memory_space<vmem_shared>>) target_semaphore(%run_scoped3A : memref<!tpu.dma_semaphore, #tpu.memory_space<semaphore_mem>>)
      %dma_wait3A_152 = arith.constant 0 : i32
      %dma_wait3A_153 = arith.constant 0 : i32
      %dma_wait3A_154 = tpu.memref_slice %arg13[%dma_wait3A_152, %dma_wait3A_153] : memref<128x144xf32, #tpu.memory_space<vmem>> -> memref<125x144xf32, #tpu.memory_space<vmem>>
      %dma_wait3A_155 = arith.constant 0 : i32
      %dma_wait3A_156 = tpu.memref_slice %arg14[%add3A_18, %dma_wait3A_155] : memref<10000x144xf32, #tpu.memory_space<vmem_shared>> -> memref<125x144xf32, #tpu.memory_space<vmem_shared>>
      %dma_wait3A_157 = arith.constant 0 : i32
      %dma_wait3A_158 = tpu.memref_slice %arg14[%add3A_18, %dma_wait3A_157] : memref<10000x144xf32, #tpu.memory_space<vmem_shared>> -> memref<125x144xf32, #tpu.memory_space<vmem_shared>>
      %dma_wait3A_159 = arith.constant 0 : i32
      %dma_wait3A_160 = arith.constant 0 : i32
      %dma_wait3A_161 = tpu.memref_slice %arg13[%dma_wait3A_159, %dma_wait3A_160] : memref<128x144xf32, #tpu.memory_space<vmem>> -> memref<125x144xf32, #tpu.memory_space<vmem>>
      tpu.wait_dma2 semaphore(%run_scoped3A : memref<!tpu.dma_semaphore, #tpu.memory_space<semaphore_mem>>) src(%dma_wait3A_161 : memref<125x144xf32, #tpu.memory_space<vmem>>) dst(%dma_wait3A_158 : memref<125x144xf32, #tpu.memory_space<vmem_shared>>)
      tpu.yield
    }) : () -> ()
    %add3A_19 = arith.constant 375 : i32
    %add3A_20 = arith.addi %mul3A_4, %add3A_19 : i32
    "tpu.region"() ({
      %run_scoped3A = tpu.sem_alloc : memref<!tpu.dma_semaphore, #tpu.memory_space<semaphore_mem>>
      %dma_start3A_142 = arith.constant 0 : i32
      %dma_start3A_143 = arith.constant 0 : i32
      %dma_start3A_144 = tpu.memref_slice %arg13[%dma_start3A_142, %dma_start3A_143] : memref<128x144xf32, #tpu.memory_space<vmem>> -> memref<125x144xf32, #tpu.memory_space<vmem>>
      %dma_start3A_145 = arith.constant 0 : i32
      %dma_start3A_146 = tpu.memref_slice %arg14[%add3A_20, %dma_start3A_145] : memref<10000x144xf32, #tpu.memory_space<vmem_shared>> -> memref<125x144xf32, #tpu.memory_space<vmem_shared>>
      %dma_start3A_147 = arith.constant 0 : i32
      %dma_start3A_148 = tpu.memref_slice %arg14[%add3A_20, %dma_start3A_147] : memref<10000x144xf32, #tpu.memory_space<vmem_shared>> -> memref<125x144xf32, #tpu.memory_space<vmem_shared>>
      %dma_start3A_149 = arith.constant 0 : i32
      %dma_start3A_150 = arith.constant 0 : i32
      %dma_start3A_151 = tpu.memref_slice %arg13[%dma_start3A_149, %dma_start3A_150] : memref<128x144xf32, #tpu.memory_space<vmem>> -> memref<125x144xf32, #tpu.memory_space<vmem>>
      tpu.enqueue_dma source(%dma_start3A_151 : memref<125x144xf32, #tpu.memory_space<vmem>>) target(%dma_start3A_148 : memref<125x144xf32, #tpu.memory_space<vmem_shared>>) target_semaphore(%run_scoped3A : memref<!tpu.dma_semaphore, #tpu.memory_space<semaphore_mem>>)
      %dma_wait3A_152 = arith.constant 0 : i32
      %dma_wait3A_153 = arith.constant 0 : i32
      %dma_wait3A_154 = tpu.memref_slice %arg13[%dma_wait3A_152, %dma_wait3A_153] : memref<128x144xf32, #tpu.memory_space<vmem>> -> memref<125x144xf32, #tpu.memory_space<vmem>>
      %dma_wait3A_155 = arith.constant 0 : i32
      %dma_wait3A_156 = tpu.memref_slice %arg14[%add3A_20, %dma_wait3A_155] : memref<10000x144xf32, #tpu.memory_space<vmem_shared>> -> memref<125x144xf32, #tpu.memory_space<vmem_shared>>
      %dma_wait3A_157 = arith.constant 0 : i32
      %dma_wait3A_158 = tpu.memref_slice %arg14[%add3A_20, %dma_wait3A_157] : memref<10000x144xf32, #tpu.memory_space<vmem_shared>> -> memref<125x144xf32, #tpu.memory_space<vmem_shared>>
      %dma_wait3A_159 = arith.constant 0 : i32
      %dma_wait3A_160 = arith.constant 0 : i32
      %dma_wait3A_161 = tpu.memref_slice %arg13[%dma_wait3A_159, %dma_wait3A_160] : memref<128x144xf32, #tpu.memory_space<vmem>> -> memref<125x144xf32, #tpu.memory_space<vmem>>
      tpu.wait_dma2 semaphore(%run_scoped3A : memref<!tpu.dma_semaphore, #tpu.memory_space<semaphore_mem>>) src(%dma_wait3A_161 : memref<125x144xf32, #tpu.memory_space<vmem>>) dst(%dma_wait3A_158 : memref<125x144xf32, #tpu.memory_space<vmem_shared>>)
      tpu.yield
    }) : () -> ()
    %add3A_21 = arith.constant 500 : i32
    %add3A_22 = arith.addi %mul3A_4, %add3A_21 : i32
    "tpu.region"() ({
      %run_scoped3A = tpu.sem_alloc : memref<!tpu.dma_semaphore, #tpu.memory_space<semaphore_mem>>
      %dma_start3A_142 = arith.constant 0 : i32
      %dma_start3A_143 = arith.constant 0 : i32
      %dma_start3A_144 = tpu.memref_slice %arg13[%dma_start3A_142, %dma_start3A_143] : memref<128x144xf32, #tpu.memory_space<vmem>> -> memref<125x144xf32, #tpu.memory_space<vmem>>
      %dma_start3A_145 = arith.constant 0 : i32
      %dma_start3A_146 = tpu.memref_slice %arg14[%add3A_22, %dma_start3A_145] : memref<10000x144xf32, #tpu.memory_space<vmem_shared>> -> memref<125x144xf32, #tpu.memory_space<vmem_shared>>
      %dma_start3A_147 = arith.constant 0 : i32
      %dma_start3A_148 = tpu.memref_slice %arg14[%add3A_22, %dma_start3A_147] : memref<10000x144xf32, #tpu.memory_space<vmem_shared>> -> memref<125x144xf32, #tpu.memory_space<vmem_shared>>
      %dma_start3A_149 = arith.constant 0 : i32
      %dma_start3A_150 = arith.constant 0 : i32
      %dma_start3A_151 = tpu.memref_slice %arg13[%dma_start3A_149, %dma_start3A_150] : memref<128x144xf32, #tpu.memory_space<vmem>> -> memref<125x144xf32, #tpu.memory_space<vmem>>
      tpu.enqueue_dma source(%dma_start3A_151 : memref<125x144xf32, #tpu.memory_space<vmem>>) target(%dma_start3A_148 : memref<125x144xf32, #tpu.memory_space<vmem_shared>>) target_semaphore(%run_scoped3A : memref<!tpu.dma_semaphore, #tpu.memory_space<semaphore_mem>>)
      %dma_wait3A_152 = arith.constant 0 : i32
      %dma_wait3A_153 = arith.constant 0 : i32
      %dma_wait3A_154 = tpu.memref_slice %arg13[%dma_wait3A_152, %dma_wait3A_153] : memref<128x144xf32, #tpu.memory_space<vmem>> -> memref<125x144xf32, #tpu.memory_space<vmem>>
      %dma_wait3A_155 = arith.constant 0 : i32
      %dma_wait3A_156 = tpu.memref_slice %arg14[%add3A_22, %dma_wait3A_155] : memref<10000x144xf32, #tpu.memory_space<vmem_shared>> -> memref<125x144xf32, #tpu.memory_space<vmem_shared>>
      %dma_wait3A_157 = arith.constant 0 : i32
      %dma_wait3A_158 = tpu.memref_slice %arg14[%add3A_22, %dma_wait3A_157] : memref<10000x144xf32, #tpu.memory_space<vmem_shared>> -> memref<125x144xf32, #tpu.memory_space<vmem_shared>>
      %dma_wait3A_159 = arith.constant 0 : i32
      %dma_wait3A_160 = arith.constant 0 : i32
      %dma_wait3A_161 = tpu.memref_slice %arg13[%dma_wait3A_159, %dma_wait3A_160] : memref<128x144xf32, #tpu.memory_space<vmem>> -> memref<125x144xf32, #tpu.memory_space<vmem>>
      tpu.wait_dma2 semaphore(%run_scoped3A : memref<!tpu.dma_semaphore, #tpu.memory_space<semaphore_mem>>) src(%dma_wait3A_161 : memref<125x144xf32, #tpu.memory_space<vmem>>) dst(%dma_wait3A_158 : memref<125x144xf32, #tpu.memory_space<vmem_shared>>)
      tpu.yield
    }) : () -> ()
    %broadcast_in_dim3A_23 = arith.constant 0xFF800000 : f32
    %broadcast_in_dim3A_24 = vector.broadcast %broadcast_in_dim3A_23 : f32 to vector<16xf32>
    %scan3A_25 = arith.constant 0 : i32
    %scan3A_26 = arith.constant 625 : i32
    %scan3A_27 = arith.addi %scan3A_25, %scan3A_26 : i32
    %scan3A_28 = arith.constant 1 : i32
    %scan3A_29 = scf.for %scan3A_142 = %scan3A_25 to %scan3A_27 step %scan3A_28 iter_args(%scan3A_143 = %broadcast_in_dim3A_24) -> (vector<16xf32>)  : i32 {
      %mul3A_144 = arith.constant 16 : i32
      %mul3A_145 = arith.muli %scan3A_142, %mul3A_144 : i32
      %get3A_146 = arith.index_cast %mul3A_145 : i32 to index
      %get3A_147 = tpu.vector_load %arg8[%get3A_146] {strides = array<i32>} : memref<10000xf32, #tpu.memory_space<vmem>>, vector<16xf32>,
      %max3A = arith.maximumf %scan3A_143, %get3A_147 : vector<16xf32>
      scf.yield %max3A : vector<16xf32>
    }
    %scan3A_30 = arith.constant 625 : i32
    %reduce_max3A = arith.constant true
    %reduce_max3A_31 = vector.broadcast %reduce_max3A : i1 to vector<16xi1>
    %reduce_max3A_32 = tpu.scan <max>, %scan3A_29 masked %reduce_max3A_31 : vector<16xf32>, vector<16xi1> -> vector<16xf32>
    %reduce_max3A_33 = vector.extract %reduce_max3A_32[15] : f32 from vector<16xf32>
    %broadcast_in_dim3A_34 = arith.constant 0xFF800000 : f32
    %broadcast_in_dim3A_35 = vector.broadcast %broadcast_in_dim3A_34 : f32 to vector<16xf32>
    %scan3A_36 = arith.constant 0 : i32
    %scan3A_37 = arith.constant 625 : i32
    %scan3A_38 = arith.addi %scan3A_36, %scan3A_37 : i32
    %scan3A_39 = arith.constant 1 : i32
    %scan3A_40 = scf.for %scan3A_142 = %scan3A_36 to %scan3A_38 step %scan3A_39 iter_args(%scan3A_143 = %broadcast_in_dim3A_35) -> (vector<16xf32>)  : i32 {
      %mul3A_144 = arith.constant 16 : i32
      %mul3A_145 = arith.muli %scan3A_142, %mul3A_144 : i32
      %get3A_146 = arith.index_cast %mul3A_145 : i32 to index
      %get3A_147 = tpu.vector_load %arg9[%get3A_146] {strides = array<i32>} : memref<10000xf32, #tpu.memory_space<vmem>>, vector<16xf32>,
      %max3A = arith.maximumf %scan3A_143, %get3A_147 : vector<16xf32>
      scf.yield %max3A : vector<16xf32>
    }
    %scan3A_41 = arith.constant 625 : i32
    %reduce_max3A_42 = arith.constant true
    %reduce_max3A_43 = vector.broadcast %reduce_max3A_42 : i1 to vector<16xi1>
    %reduce_max3A_44 = tpu.scan <max>, %scan3A_40 masked %reduce_max3A_43 : vector<16xf32>, vector<16xi1> -> vector<16xf32>
    %reduce_max3A_45 = vector.extract %reduce_max3A_44[15] : f32 from vector<16xf32>
    %add3A_46 = arith.addf %reduce_max3A_33, %reduce_max3A_45 : f32
    %ge3A = arith.constant 0.000000e+00 : f32
    %ge3A_47 = arith.cmpf oge, %add3A_46, %ge3A : f32
    %mul3A_48 = arith.constant 2.000000e-01 : f32
    %mul3A_49 = arith.mulf %mul3A_48, %add3A_46 : f32
    %select_n3A = arith.select %ge3A_47, %add3A_46, %mul3A_49 : f32
    %barrier3A = arith.constant 0 : index
    tpu.barrier barrier_id(%barrier3A)
    %scan3A_50 = arith.constant 0 : i32
    %scan3A_51 = arith.constant 0 : i32
    %scan3A_52 = arith.constant 78 : i32
    %scan3A_53 = arith.addi %scan3A_51, %scan3A_52 : i32
    %scan3A_54 = arith.constant 1 : i32
    scf.for %scan3A_142 = %scan3A_51 to %scan3A_53 step %scan3A_54  : i32 {
      %mul3A_143 = arith.constant 128 : i32
      %mul3A_144 = arith.muli %scan3A_142, %mul3A_143 : i32
      %add3A_145 = arith.addi %mul3A_2, %mul3A_144 : i32
      "tpu.region"() ({
        %run_scoped3A = tpu.sem_alloc : memref<!tpu.dma_semaphore, #tpu.memory_space<semaphore_mem>>
        %dma_start3A_167 = arith.constant 0 : i32
        %dma_start3A_168 = tpu.memref_slice %arg10[%dma_start3A_167] : memref<128xi32, #tpu.memory_space<vmem>> -> memref<128xi32, #tpu.memory_space<vmem>>
        %dma_start3A_169 = tpu.memref_slice %arg4[%add3A_145] : memref<320000xi32, #tpu.memory_space<hbm>> -> memref<128xi32, #tpu.memory_space<hbm>>
        %dma_start3A_170 = arith.constant 0 : i32
        %dma_start3A_171 = tpu.memref_slice %arg10[%dma_start3A_170] : memref<128xi32, #tpu.memory_space<vmem>> -> memref<128xi32, #tpu.memory_space<vmem>>
        %dma_start3A_172 = tpu.memref_slice %arg4[%add3A_145] : memref<320000xi32, #tpu.memory_space<hbm>> -> memref<128xi32, #tpu.memory_space<hbm>>
        tpu.enqueue_dma source(%dma_start3A_172 : memref<128xi32, #tpu.memory_space<hbm>>) target(%dma_start3A_171 : memref<128xi32, #tpu.memory_space<vmem>>) target_semaphore(%run_scoped3A : memref<!tpu.dma_semaphore, #tpu.memory_space<semaphore_mem>>)
        %dma_wait3A_173 = arith.constant 0 : i32
        %dma_wait3A_174 = tpu.memref_slice %arg10[%dma_wait3A_173] : memref<128xi32, #tpu.memory_space<vmem>> -> memref<128xi32, #tpu.memory_space<vmem>>
        %dma_wait3A_175 = tpu.memref_slice %arg4[%add3A_145] : memref<320000xi32, #tpu.memory_space<hbm>> -> memref<128xi32, #tpu.memory_space<hbm>>
        %dma_wait3A_176 = arith.constant 0 : i32
        %dma_wait3A_177 = tpu.memref_slice %arg10[%dma_wait3A_176] : memref<128xi32, #tpu.memory_space<vmem>> -> memref<128xi32, #tpu.memory_space<vmem>>
        %dma_wait3A_178 = tpu.memref_slice %arg4[%add3A_145] : memref<320000xi32, #tpu.memory_space<hbm>> -> memref<128xi32, #tpu.memory_space<hbm>>
        tpu.wait_dma2 semaphore(%run_scoped3A : memref<!tpu.dma_semaphore, #tpu.memory_space<semaphore_mem>>) src(%dma_wait3A_178 : memref<128xi32, #tpu.memory_space<hbm>>) dst(%dma_wait3A_177 : memref<128xi32, #tpu.memory_space<vmem>>)
        tpu.yield
      }) : () -> ()
      %mul3A_146 = arith.constant 128 : i32
      %mul3A_147 = arith.muli %scan3A_142, %mul3A_146 : i32
      %add3A_148 = arith.addi %mul3A_2, %mul3A_147 : i32
      "tpu.region"() ({
        %run_scoped3A = tpu.sem_alloc : memref<!tpu.dma_semaphore, #tpu.memory_space<semaphore_mem>>
        %dma_start3A_167 = arith.constant 0 : i32
        %dma_start3A_168 = tpu.memref_slice %arg11[%dma_start3A_167] : memref<128xi32, #tpu.memory_space<vmem>> -> memref<128xi32, #tpu.memory_space<vmem>>
        %dma_start3A_169 = tpu.memref_slice %arg5[%add3A_148] : memref<320000xi32, #tpu.memory_space<hbm>> -> memref<128xi32, #tpu.memory_space<hbm>>
        %dma_start3A_170 = arith.constant 0 : i32
        %dma_start3A_171 = tpu.memref_slice %arg11[%dma_start3A_170] : memref<128xi32, #tpu.memory_space<vmem>> -> memref<128xi32, #tpu.memory_space<vmem>>
        %dma_start3A_172 = tpu.memref_slice %arg5[%add3A_148] : memref<320000xi32, #tpu.memory_space<hbm>> -> memref<128xi32, #tpu.memory_space<hbm>>
        tpu.enqueue_dma source(%dma_start3A_172 : memref<128xi32, #tpu.memory_space<hbm>>) target(%dma_start3A_171 : memref<128xi32, #tpu.memory_space<vmem>>) target_semaphore(%run_scoped3A : memref<!tpu.dma_semaphore, #tpu.memory_space<semaphore_mem>>)
        %dma_wait3A_173 = arith.constant 0 : i32
        %dma_wait3A_174 = tpu.memref_slice %arg11[%dma_wait3A_173] : memref<128xi32, #tpu.memory_space<vmem>> -> memref<128xi32, #tpu.memory_space<vmem>>
        %dma_wait3A_175 = tpu.memref_slice %arg5[%add3A_148] : memref<320000xi32, #tpu.memory_space<hbm>> -> memref<128xi32, #tpu.memory_space<hbm>>
        %dma_wait3A_176 = arith.constant 0 : i32
        %dma_wait3A_177 = tpu.memref_slice %arg11[%dma_wait3A_176] : memref<128xi32, #tpu.memory_space<vmem>> -> memref<128xi32, #tpu.memory_space<vmem>>
        %dma_wait3A_178 = tpu.memref_slice %arg5[%add3A_148] : memref<320000xi32, #tpu.memory_space<hbm>> -> memref<128xi32, #tpu.memory_space<hbm>>
        tpu.wait_dma2 semaphore(%run_scoped3A : memref<!tpu.dma_semaphore, #tpu.memory_space<semaphore_mem>>) src(%dma_wait3A_178 : memref<128xi32, #tpu.memory_space<hbm>>) dst(%dma_wait3A_177 : memref<128xi32, #tpu.memory_space<vmem>>)
        tpu.yield
      }) : () -> ()
      %dma_start3A_149 = arith.constant 0 : i32
      %dma_start3A_150 = arith.constant 0 : i32
      %dma_start3A_151 = tpu.memref_slice %arg6[%dma_start3A_149, %dma_start3A_150] : memref<10000x144xf32, #tpu.memory_space<hbm>> -> memref<10000x144xf32, #tpu.memory_space<hbm>>
      tpu.enqueue_indirect_dma source(%dma_start3A_151 : memref<10000x144xf32, #tpu.memory_space<hbm>>) target(%arg13 : memref<128x144xf32, #tpu.memory_space<vmem>>) offsets(%arg10 : memref<128xi32, #tpu.memory_space<vmem>>) semaphore(%arg15 : memref<!tpu.dma_semaphore, #tpu.memory_space<semaphore_mem>>)
      %scan3A_152 = arith.constant 0 : i32
      %scan3A_153 = arith.constant 0 : i32
      %scan3A_154 = arith.constant 8 : i32
      %scan3A_155 = arith.addi %scan3A_153, %scan3A_154 : i32
      %scan3A_156 = arith.constant 1 : i32
      scf.for %scan3A_167 = %scan3A_153 to %scan3A_155 step %scan3A_156  : i32 {
        %mul3A_168 = arith.constant 16 : i32
        %mul3A_169 = arith.muli %scan3A_167, %mul3A_168 : i32
        %get3A_170 = arith.index_cast %mul3A_169 : i32 to index
        %get3A_171 = tpu.vector_load %arg10[%get3A_170] {strides = array<i32>} : memref<128xi32, #tpu.memory_space<vmem>>, vector<16xi32>,
        %mul3A_172 = arith.constant 16 : i32
        %mul3A_173 = arith.muli %scan3A_167, %mul3A_172 : i32
        %get3A_174 = arith.index_cast %mul3A_173 : i32 to index
        %get3A_175 = tpu.vector_load %arg11[%get3A_174] {strides = array<i32>} : memref<128xi32, #tpu.memory_space<vmem>>, vector<16xi32>,
        %gather3A_176 = tpu.vector_load_idx %arg8[%get3A_171] : memref<10000xf32, #tpu.memory_space<vmem>>[vector<16xi32>], vector<16xf32>,
        %gather3A_177 = tpu.vector_load_idx %arg9[%get3A_175] : memref<10000xf32, #tpu.memory_space<vmem>>[vector<16xi32>], vector<16xf32>,
        %add3A_178 = arith.addf %gather3A_176, %gather3A_177 : vector<16xf32>
        %ge3A_179 = arith.constant 0.000000e+00 : f32
        %ge3A_180 = vector.broadcast %ge3A_179 : f32 to vector<16xf32>
        %ge3A_181 = arith.cmpf oge, %add3A_178, %ge3A_180 : vector<16xf32>
        %mul3A_182 = arith.constant 2.000000e-01 : f32
        %mul3A_183 = vector.broadcast %mul3A_182 : f32 to vector<16xf32>
        %mul3A_184 = arith.mulf %mul3A_183, %add3A_178 : vector<16xf32>
        %select_n3A_185 = arith.select %ge3A_181, %add3A_178, %mul3A_184 : vector<16xi1>, vector<16xf32>
        %sub3A_186 = vector.broadcast %select_n3A : f32 to vector<16xf32>
        %sub3A_187 = arith.subf %select_n3A_185, %sub3A_186 : vector<16xf32>
        %exp3A_188 = math.exp %sub3A_187 : vector<16xf32>
        %mul3A_189 = arith.constant 16 : i32
        %mul3A_190 = arith.muli %scan3A_167, %mul3A_189 : i32
        %swap3A_191 = arith.index_cast %mul3A_190 : i32 to index
        %swap3A_192 = tpu.vector_load %arg12[%swap3A_191] {strides = array<i32>} : memref<128xf32, #tpu.memory_space<vmem>>, vector<16xf32>,
        tpu.vector_store %arg12[%swap3A_191], %exp3A_188 {strides = array<i32>} : memref<128xf32, #tpu.memory_space<vmem>>, vector<16xf32>,
      }
      %scan3A_157 = arith.constant 8 : i32
      %dma_wait3A_158 = arith.constant 0 : i32
      %dma_wait3A_159 = arith.constant 0 : i32
      %dma_wait3A_160 = tpu.memref_slice %arg6[%dma_wait3A_158, %dma_wait3A_159] : memref<10000x144xf32, #tpu.memory_space<hbm>> -> memref<10000x144xf32, #tpu.memory_space<hbm>>
      tpu.wait_indirect_dma semaphore(%arg15 : memref<!tpu.dma_semaphore, #tpu.memory_space<semaphore_mem>>) src(%dma_wait3A_160 : memref<10000x144xf32, #tpu.memory_space<hbm>>) dst(%arg13 : memref<128x144xf32, #tpu.memory_space<vmem>>)
      %scan3A_161 = arith.constant 0 : i32
      %scan3A_162 = arith.constant 0 : i32
      %scan3A_163 = arith.constant 128 : i32
      %scan3A_164 = arith.addi %scan3A_162, %scan3A_163 : i32
      %scan3A_165 = arith.constant 1 : i32
      scf.for %scan3A_167 = %scan3A_162 to %scan3A_164 step %scan3A_165  : i32 {
        %broadcast_in_dim3A_168 = vector.broadcast %scan3A_167 : i32 to vector<16xi32>
        %gather3A_169 = tpu.vector_load_idx %arg12[%broadcast_in_dim3A_168] : memref<128xf32, #tpu.memory_space<vmem>>[vector<16xi32>], vector<16xf32>,
        %get3A_170 = arith.index_cast %scan3A_167 : i32 to index
        %get3A_171 = arith.constant 0 : index
        %get3A_172 = tpu.vector_load %arg13[%get3A_170, %get3A_171] {strides = array<i32>} : memref<128x144xf32, #tpu.memory_space<vmem>>, vector<16xf32>,
        %mul3A_173 = arith.mulf %get3A_172, %gather3A_169 : vector<16xf32>
        %swap3A_174 = arith.index_cast %scan3A_167 : i32 to index
        %swap3A_175 = arith.constant 0 : index
        %swap3A_176 = tpu.vector_load %arg13[%swap3A_174, %swap3A_175] {strides = array<i32>} : memref<128x144xf32, #tpu.memory_space<vmem>>, vector<16xf32>,
        tpu.vector_store %arg13[%swap3A_174, %swap3A_175], %mul3A_173 {strides = array<i32>} : memref<128x144xf32, #tpu.memory_space<vmem>>, vector<16xf32>,
        %get3A_177 = arith.index_cast %scan3A_167 : i32 to index
        %get3A_178 = arith.constant 16 : index
        %get3A_179 = tpu.vector_load %arg13[%get3A_177, %get3A_178] {strides = array<i32>} : memref<128x144xf32, #tpu.memory_space<vmem>>, vector<16xf32>,
        %mul3A_180 = arith.mulf %get3A_179, %gather3A_169 : vector<16xf32>
        %swap3A_181 = arith.index_cast %scan3A_167 : i32 to index
        %swap3A_182 = arith.constant 16 : index
        %swap3A_183 = tpu.vector_load %arg13[%swap3A_181, %swap3A_182] {strides = array<i32>} : memref<128x144xf32, #tpu.memory_space<vmem>>, vector<16xf32>,
        tpu.vector_store %arg13[%swap3A_181, %swap3A_182], %mul3A_180 {strides = array<i32>} : memref<128x144xf32, #tpu.memory_space<vmem>>, vector<16xf32>,
        %get3A_184 = arith.index_cast %scan3A_167 : i32 to index
        %get3A_185 = arith.constant 32 : index
        %get3A_186 = tpu.vector_load %arg13[%get3A_184, %get3A_185] {strides = array<i32>} : memref<128x144xf32, #tpu.memory_space<vmem>>, vector<16xf32>,
        %mul3A_187 = arith.mulf %get3A_186, %gather3A_169 : vector<16xf32>
        %swap3A_188 = arith.index_cast %scan3A_167 : i32 to index
        %swap3A_189 = arith.constant 32 : index
        %swap3A_190 = tpu.vector_load %arg13[%swap3A_188, %swap3A_189] {strides = array<i32>} : memref<128x144xf32, #tpu.memory_space<vmem>>, vector<16xf32>,
        tpu.vector_store %arg13[%swap3A_188, %swap3A_189], %mul3A_187 {strides = array<i32>} : memref<128x144xf32, #tpu.memory_space<vmem>>, vector<16xf32>,
        %get3A_191 = arith.index_cast %scan3A_167 : i32 to index
        %get3A_192 = arith.constant 48 : index
        %get3A_193 = tpu.vector_load %arg13[%get3A_191, %get3A_192] {strides = array<i32>} : memref<128x144xf32, #tpu.memory_space<vmem>>, vector<16xf32>,
        %mul3A_194 = arith.mulf %get3A_193, %gather3A_169 : vector<16xf32>
        %swap3A_195 = arith.index_cast %scan3A_167 : i32 to index
        %swap3A_196 = arith.constant 48 : index
        %swap3A_197 = tpu.vector_load %arg13[%swap3A_195, %swap3A_196] {strides = array<i32>} : memref<128x144xf32, #tpu.memory_space<vmem>>, vector<16xf32>,
        tpu.vector_store %arg13[%swap3A_195, %swap3A_196], %mul3A_194 {strides = array<i32>} : memref<128x144xf32, #tpu.memory_space<vmem>>, vector<16xf32>,
        %get3A_198 = arith.index_cast %scan3A_167 : i32 to index
        %get3A_199 = arith.constant 64 : index
        %get3A_200 = tpu.vector_load %arg13[%get3A_198, %get3A_199] {strides = array<i32>} : memref<128x144xf32, #tpu.memory_space<vmem>>, vector<16xf32>,
        %mul3A_201 = arith.mulf %get3A_200, %gather3A_169 : vector<16xf32>
        %swap3A_202 = arith.index_cast %scan3A_167 : i32 to index
        %swap3A_203 = arith.constant 64 : index
        %swap3A_204 = tpu.vector_load %arg13[%swap3A_202, %swap3A_203] {strides = array<i32>} : memref<128x144xf32, #tpu.memory_space<vmem>>, vector<16xf32>,
        tpu.vector_store %arg13[%swap3A_202, %swap3A_203], %mul3A_201 {strides = array<i32>} : memref<128x144xf32, #tpu.memory_space<vmem>>, vector<16xf32>,
        %get3A_205 = arith.index_cast %scan3A_167 : i32 to index
        %get3A_206 = arith.constant 80 : index
        %get3A_207 = tpu.vector_load %arg13[%get3A_205, %get3A_206] {strides = array<i32>} : memref<128x144xf32, #tpu.memory_space<vmem>>, vector<16xf32>,
        %mul3A_208 = arith.mulf %get3A_207, %gather3A_169 : vector<16xf32>
        %swap3A_209 = arith.index_cast %scan3A_167 : i32 to index
        %swap3A_210 = arith.constant 80 : index
        %swap3A_211 = tpu.vector_load %arg13[%swap3A_209, %swap3A_210] {strides = array<i32>} : memref<128x144xf32, #tpu.memory_space<vmem>>, vector<16xf32>,
        tpu.vector_store %arg13[%swap3A_209, %swap3A_210], %mul3A_208 {strides = array<i32>} : memref<128x144xf32, #tpu.memory_space<vmem>>, vector<16xf32>,
        %get3A_212 = arith.index_cast %scan3A_167 : i32 to index
        %get3A_213 = arith.constant 96 : index
        %get3A_214 = tpu.vector_load %arg13[%get3A_212, %get3A_213] {strides = array<i32>} : memref<128x144xf32, #tpu.memory_space<vmem>>, vector<16xf32>,
        %mul3A_215 = arith.mulf %get3A_214, %gather3A_169 : vector<16xf32>
        %swap3A_216 = arith.index_cast %scan3A_167 : i32 to index
        %swap3A_217 = arith.constant 96 : index
        %swap3A_218 = tpu.vector_load %arg13[%swap3A_216, %swap3A_217] {strides = array<i32>} : memref<128x144xf32, #tpu.memory_space<vmem>>, vector<16xf32>,
        tpu.vector_store %arg13[%swap3A_216, %swap3A_217], %mul3A_215 {strides = array<i32>} : memref<128x144xf32, #tpu.memory_space<vmem>>, vector<16xf32>,
        %get3A_219 = arith.index_cast %scan3A_167 : i32 to index
        %get3A_220 = arith.constant 112 : index
        %get3A_221 = tpu.vector_load %arg13[%get3A_219, %get3A_220] {strides = array<i32>} : memref<128x144xf32, #tpu.memory_space<vmem>>, vector<16xf32>,
        %mul3A_222 = arith.mulf %get3A_221, %gather3A_169 : vector<16xf32>
        %swap3A_223 = arith.index_cast %scan3A_167 : i32 to index
        %swap3A_224 = arith.constant 112 : index
        %swap3A_225 = tpu.vector_load %arg13[%swap3A_223, %swap3A_224] {strides = array<i32>} : memref<128x144xf32, #tpu.memory_space<vmem>>, vector<16xf32>,
        tpu.vector_store %arg13[%swap3A_223, %swap3A_224], %mul3A_222 {strides = array<i32>} : memref<128x144xf32, #tpu.memory_space<vmem>>, vector<16xf32>,
        %get3A_226 = arith.index_cast %scan3A_167 : i32 to index
        %get3A_227 = arith.constant 128 : index
        %get3A_228 = tpu.vector_load %arg13[%get3A_226, %get3A_227] {strides = array<i32>} : memref<128x144xf32, #tpu.memory_space<vmem>>, vector<16xf32>,
        %mul3A_229 = arith.mulf %get3A_228, %gather3A_169 : vector<16xf32>
        %swap3A_230 = arith.index_cast %scan3A_167 : i32 to index
        %swap3A_231 = arith.constant 128 : index
        %swap3A_232 = tpu.vector_load %arg13[%swap3A_230, %swap3A_231] {strides = array<i32>} : memref<128x144xf32, #tpu.memory_space<vmem>>, vector<16xf32>,
        tpu.vector_store %arg13[%swap3A_230, %swap3A_231], %mul3A_229 {strides = array<i32>} : memref<128x144xf32, #tpu.memory_space<vmem>>, vector<16xf32>,
      }
      %scan3A_166 = arith.constant 128 : i32
      "tpu.region"() ({
        %run_scoped3A = tpu.sem_alloc : memref<!tpu.dma_semaphore, #tpu.memory_space<semaphore_mem>>
        %dma_start3A_167 = arith.constant 0 : i32
        %dma_start3A_168 = arith.constant 0 : i32
        %dma_start3A_169 = tpu.memref_slice %arg14[%dma_start3A_167, %dma_start3A_168] : memref<10000x144xf32, #tpu.memory_space<vmem_shared>> -> memref<10000x144xf32, #tpu.memory_space<vmem_shared>>
        tpu.enqueue_indirect_dma source(%arg13 : memref<128x144xf32, #tpu.memory_space<vmem>>) target(%dma_start3A_169 : memref<10000x144xf32, #tpu.memory_space<vmem_shared>>) offsets(%arg11 : memref<128xi32, #tpu.memory_space<vmem>>) semaphore(%run_scoped3A : memref<!tpu.dma_semaphore, #tpu.memory_space<semaphore_mem>>) {add = true}
        %dma_wait3A_170 = arith.constant 0 : i32
        %dma_wait3A_171 = arith.constant 0 : i32
        %dma_wait3A_172 = tpu.memref_slice %arg14[%dma_wait3A_170, %dma_wait3A_171] : memref<10000x144xf32, #tpu.memory_space<vmem_shared>> -> memref<10000x144xf32, #tpu.memory_space<vmem_shared>>
        tpu.wait_indirect_dma semaphore(%run_scoped3A : memref<!tpu.dma_semaphore, #tpu.memory_space<semaphore_mem>>) src(%arg13 : memref<128x144xf32, #tpu.memory_space<vmem>>) dst(%dma_wait3A_172 : memref<10000x144xf32, #tpu.memory_space<vmem_shared>>)
        tpu.yield
      }) : () -> ()
    }
    %scan3A_55 = arith.constant 78 : i32
    %swap3A = arith.constant 0 : index
    %swap3A_56 = tpu.vector_load %arg10[%swap3A] {strides = array<i32>} : memref<128xi32, #tpu.memory_space<vmem>>, vector<16xi32>,
    tpu.vector_store %arg10[%swap3A], %broadcast_in_dim3A_7 {strides = array<i32>} : memref<128xi32, #tpu.memory_space<vmem>>, vector<16xi32>,
    %swap3A_57 = arith.constant 0 : index
    %swap3A_58 = tpu.vector_load %arg11[%swap3A_57] {strides = array<i32>} : memref<128xi32, #tpu.memory_space<vmem>>, vector<16xi32>,
    tpu.vector_store %arg11[%swap3A_57], %broadcast_in_dim3A_7 {strides = array<i32>} : memref<128xi32, #tpu.memory_space<vmem>>, vector<16xi32>,
    %swap3A_59 = arith.constant 0 : index
    %swap3A_60 = tpu.vector_load %arg12[%swap3A_59] {strides = array<i32>} : memref<128xf32, #tpu.memory_space<vmem>>, vector<16xf32>,
    tpu.vector_store %arg12[%swap3A_59], %broadcast_in_dim3A_5 {strides = array<i32>} : memref<128xf32, #tpu.memory_space<vmem>>, vector<16xf32>,
    %swap3A_61 = arith.constant 16 : index
    %swap3A_62 = tpu.vector_load %arg10[%swap3A_61] {strides = array<i32>} : memref<128xi32, #tpu.memory_space<vmem>>, vector<16xi32>,
    tpu.vector_store %arg10[%swap3A_61], %broadcast_in_dim3A_7 {strides = array<i32>} : memref<128xi32, #tpu.memory_space<vmem>>, vector<16xi32>,
    %swap3A_63 = arith.constant 16 : index
    %swap3A_64 = tpu.vector_load %arg11[%swap3A_63] {strides = array<i32>} : memref<128xi32, #tpu.memory_space<vmem>>, vector<16xi32>,
    tpu.vector_store %arg11[%swap3A_63], %broadcast_in_dim3A_7 {strides = array<i32>} : memref<128xi32, #tpu.memory_space<vmem>>, vector<16xi32>,
    %swap3A_65 = arith.constant 16 : index
    %swap3A_66 = tpu.vector_load %arg12[%swap3A_65] {strides = array<i32>} : memref<128xf32, #tpu.memory_space<vmem>>, vector<16xf32>,
    tpu.vector_store %arg12[%swap3A_65], %broadcast_in_dim3A_5 {strides = array<i32>} : memref<128xf32, #tpu.memory_space<vmem>>, vector<16xf32>,
    %swap3A_67 = arith.constant 32 : index
    %swap3A_68 = tpu.vector_load %arg10[%swap3A_67] {strides = array<i32>} : memref<128xi32, #tpu.memory_space<vmem>>, vector<16xi32>,
    tpu.vector_store %arg10[%swap3A_67], %broadcast_in_dim3A_7 {strides = array<i32>} : memref<128xi32, #tpu.memory_space<vmem>>, vector<16xi32>,
    %swap3A_69 = arith.constant 32 : index
    %swap3A_70 = tpu.vector_load %arg11[%swap3A_69] {strides = array<i32>} : memref<128xi32, #tpu.memory_space<vmem>>, vector<16xi32>,
    tpu.vector_store %arg11[%swap3A_69], %broadcast_in_dim3A_7 {strides = array<i32>} : memref<128xi32, #tpu.memory_space<vmem>>, vector<16xi32>,
    %swap3A_71 = arith.constant 32 : index
    %swap3A_72 = tpu.vector_load %arg12[%swap3A_71] {strides = array<i32>} : memref<128xf32, #tpu.memory_space<vmem>>, vector<16xf32>,
    tpu.vector_store %arg12[%swap3A_71], %broadcast_in_dim3A_5 {strides = array<i32>} : memref<128xf32, #tpu.memory_space<vmem>>, vector<16xf32>,
    %swap3A_73 = arith.constant 48 : index
    %swap3A_74 = tpu.vector_load %arg10[%swap3A_73] {strides = array<i32>} : memref<128xi32, #tpu.memory_space<vmem>>, vector<16xi32>,
    tpu.vector_store %arg10[%swap3A_73], %broadcast_in_dim3A_7 {strides = array<i32>} : memref<128xi32, #tpu.memory_space<vmem>>, vector<16xi32>,
    %swap3A_75 = arith.constant 48 : index
    %swap3A_76 = tpu.vector_load %arg11[%swap3A_75] {strides = array<i32>} : memref<128xi32, #tpu.memory_space<vmem>>, vector<16xi32>,
    tpu.vector_store %arg11[%swap3A_75], %broadcast_in_dim3A_7 {strides = array<i32>} : memref<128xi32, #tpu.memory_space<vmem>>, vector<16xi32>,
    %swap3A_77 = arith.constant 48 : index
    %swap3A_78 = tpu.vector_load %arg12[%swap3A_77] {strides = array<i32>} : memref<128xf32, #tpu.memory_space<vmem>>, vector<16xf32>,
    tpu.vector_store %arg12[%swap3A_77], %broadcast_in_dim3A_5 {strides = array<i32>} : memref<128xf32, #tpu.memory_space<vmem>>, vector<16xf32>,
    %swap3A_79 = arith.constant 64 : index
    %swap3A_80 = tpu.vector_load %arg10[%swap3A_79] {strides = array<i32>} : memref<128xi32, #tpu.memory_space<vmem>>, vector<16xi32>,
    tpu.vector_store %arg10[%swap3A_79], %broadcast_in_dim3A_7 {strides = array<i32>} : memref<128xi32, #tpu.memory_space<vmem>>, vector<16xi32>,
    %swap3A_81 = arith.constant 64 : index
    %swap3A_82 = tpu.vector_load %arg11[%swap3A_81] {strides = array<i32>} : memref<128xi32, #tpu.memory_space<vmem>>, vector<16xi32>,
    tpu.vector_store %arg11[%swap3A_81], %broadcast_in_dim3A_7 {strides = array<i32>} : memref<128xi32, #tpu.memory_space<vmem>>, vector<16xi32>,
    %swap3A_83 = arith.constant 64 : index
    %swap3A_84 = tpu.vector_load %arg12[%swap3A_83] {strides = array<i32>} : memref<128xf32, #tpu.memory_space<vmem>>, vector<16xf32>,
    tpu.vector_store %arg12[%swap3A_83], %broadcast_in_dim3A_5 {strides = array<i32>} : memref<128xf32, #tpu.memory_space<vmem>>, vector<16xf32>,
    %swap3A_85 = arith.constant 80 : index
    %swap3A_86 = tpu.vector_load %arg10[%swap3A_85] {strides = array<i32>} : memref<128xi32, #tpu.memory_space<vmem>>, vector<16xi32>,
    tpu.vector_store %arg10[%swap3A_85], %broadcast_in_dim3A_7 {strides = array<i32>} : memref<128xi32, #tpu.memory_space<vmem>>, vector<16xi32>,
    %swap3A_87 = arith.constant 80 : index
    %swap3A_88 = tpu.vector_load %arg11[%swap3A_87] {strides = array<i32>} : memref<128xi32, #tpu.memory_space<vmem>>, vector<16xi32>,
    tpu.vector_store %arg11[%swap3A_87], %broadcast_in_dim3A_7 {strides = array<i32>} : memref<128xi32, #tpu.memory_space<vmem>>, vector<16xi32>,
    %swap3A_89 = arith.constant 80 : index
    %swap3A_90 = tpu.vector_load %arg12[%swap3A_89] {strides = array<i32>} : memref<128xf32, #tpu.memory_space<vmem>>, vector<16xf32>,
    tpu.vector_store %arg12[%swap3A_89], %broadcast_in_dim3A_5 {strides = array<i32>} : memref<128xf32, #tpu.memory_space<vmem>>, vector<16xf32>,
    %swap3A_91 = arith.constant 96 : index
    %swap3A_92 = tpu.vector_load %arg10[%swap3A_91] {strides = array<i32>} : memref<128xi32, #tpu.memory_space<vmem>>, vector<16xi32>,
    tpu.vector_store %arg10[%swap3A_91], %broadcast_in_dim3A_7 {strides = array<i32>} : memref<128xi32, #tpu.memory_space<vmem>>, vector<16xi32>,
    %swap3A_93 = arith.constant 96 : index
    %swap3A_94 = tpu.vector_load %arg11[%swap3A_93] {strides = array<i32>} : memref<128xi32, #tpu.memory_space<vmem>>, vector<16xi32>,
    tpu.vector_store %arg11[%swap3A_93], %broadcast_in_dim3A_7 {strides = array<i32>} : memref<128xi32, #tpu.memory_space<vmem>>, vector<16xi32>,
    %swap3A_95 = arith.constant 96 : index
    %swap3A_96 = tpu.vector_load %arg12[%swap3A_95] {strides = array<i32>} : memref<128xf32, #tpu.memory_space<vmem>>, vector<16xf32>,
    tpu.vector_store %arg12[%swap3A_95], %broadcast_in_dim3A_5 {strides = array<i32>} : memref<128xf32, #tpu.memory_space<vmem>>, vector<16xf32>,
    %swap3A_97 = arith.constant 112 : index
    %swap3A_98 = tpu.vector_load %arg10[%swap3A_97] {strides = array<i32>} : memref<128xi32, #tpu.memory_space<vmem>>, vector<16xi32>,
    tpu.vector_store %arg10[%swap3A_97], %broadcast_in_dim3A_7 {strides = array<i32>} : memref<128xi32, #tpu.memory_space<vmem>>, vector<16xi32>,
    %swap3A_99 = arith.constant 112 : index
    %swap3A_100 = tpu.vector_load %arg11[%swap3A_99] {strides = array<i32>} : memref<128xi32, #tpu.memory_space<vmem>>, vector<16xi32>,
    tpu.vector_store %arg11[%swap3A_99], %broadcast_in_dim3A_7 {strides = array<i32>} : memref<128xi32, #tpu.memory_space<vmem>>, vector<16xi32>,
    %swap3A_101 = arith.constant 112 : index
    %swap3A_102 = tpu.vector_load %arg12[%swap3A_101] {strides = array<i32>} : memref<128xf32, #tpu.memory_space<vmem>>, vector<16xf32>,
    tpu.vector_store %arg12[%swap3A_101], %broadcast_in_dim3A_5 {strides = array<i32>} : memref<128xf32, #tpu.memory_space<vmem>>, vector<16xf32>,
    %add3A_103 = arith.constant 9984 : i32
    %add3A_104 = arith.addi %mul3A_2, %add3A_103 : i32
    "tpu.region"() ({
      %run_scoped3A = tpu.sem_alloc : memref<!tpu.dma_semaphore, #tpu.memory_space<semaphore_mem>>
      %dma_start3A_142 = arith.constant 0 : i32
      %dma_start3A_143 = tpu.memref_slice %arg10[%dma_start3A_142] : memref<128xi32, #tpu.memory_space<vmem>> -> memref<16xi32, #tpu.memory_space<vmem>>
      %dma_start3A_144 = tpu.memref_slice %arg4[%add3A_104] : memref<320000xi32, #tpu.memory_space<hbm>> -> memref<16xi32, #tpu.memory_space<hbm>>
      %dma_start3A_145 = arith.constant 0 : i32
      %dma_start3A_146 = tpu.memref_slice %arg10[%dma_start3A_145] : memref<128xi32, #tpu.memory_space<vmem>> -> memref<16xi32, #tpu.memory_space<vmem>>
      %dma_start3A_147 = tpu.memref_slice %arg4[%add3A_104] : memref<320000xi32, #tpu.memory_space<hbm>> -> memref<16xi32, #tpu.memory_space<hbm>>
      tpu.enqueue_dma source(%dma_start3A_147 : memref<16xi32, #tpu.memory_space<hbm>>) target(%dma_start3A_146 : memref<16xi32, #tpu.memory_space<vmem>>) target_semaphore(%run_scoped3A : memref<!tpu.dma_semaphore, #tpu.memory_space<semaphore_mem>>)
      %dma_wait3A_148 = arith.constant 0 : i32
      %dma_wait3A_149 = tpu.memref_slice %arg10[%dma_wait3A_148] : memref<128xi32, #tpu.memory_space<vmem>> -> memref<16xi32, #tpu.memory_space<vmem>>
      %dma_wait3A_150 = tpu.memref_slice %arg4[%add3A_104] : memref<320000xi32, #tpu.memory_space<hbm>> -> memref<16xi32, #tpu.memory_space<hbm>>
      %dma_wait3A_151 = arith.constant 0 : i32
      %dma_wait3A_152 = tpu.memref_slice %arg10[%dma_wait3A_151] : memref<128xi32, #tpu.memory_space<vmem>> -> memref<16xi32, #tpu.memory_space<vmem>>
      %dma_wait3A_153 = tpu.memref_slice %arg4[%add3A_104] : memref<320000xi32, #tpu.memory_space<hbm>> -> memref<16xi32, #tpu.memory_space<hbm>>
      tpu.wait_dma2 semaphore(%run_scoped3A : memref<!tpu.dma_semaphore, #tpu.memory_space<semaphore_mem>>) src(%dma_wait3A_153 : memref<16xi32, #tpu.memory_space<hbm>>) dst(%dma_wait3A_152 : memref<16xi32, #tpu.memory_space<vmem>>)
      tpu.yield
    }) : () -> ()
    %add3A_105 = arith.constant 9984 : i32
    %add3A_106 = arith.addi %mul3A_2, %add3A_105 : i32
    "tpu.region"() ({
      %run_scoped3A = tpu.sem_alloc : memref<!tpu.dma_semaphore, #tpu.memory_space<semaphore_mem>>
      %dma_start3A_142 = arith.constant 0 : i32
      %dma_start3A_143 = tpu.memref_slice %arg11[%dma_start3A_142] : memref<128xi32, #tpu.memory_space<vmem>> -> memref<16xi32, #tpu.memory_space<vmem>>
      %dma_start3A_144 = tpu.memref_slice %arg5[%add3A_106] : memref<320000xi32, #tpu.memory_space<hbm>> -> memref<16xi32, #tpu.memory_space<hbm>>
      %dma_start3A_145 = arith.constant 0 : i32
      %dma_start3A_146 = tpu.memref_slice %arg11[%dma_start3A_145] : memref<128xi32, #tpu.memory_space<vmem>> -> memref<16xi32, #tpu.memory_space<vmem>>
      %dma_start3A_147 = tpu.memref_slice %arg5[%add3A_106] : memref<320000xi32, #tpu.memory_space<hbm>> -> memref<16xi32, #tpu.memory_space<hbm>>
      tpu.enqueue_dma source(%dma_start3A_147 : memref<16xi32, #tpu.memory_space<hbm>>) target(%dma_start3A_146 : memref<16xi32, #tpu.memory_space<vmem>>) target_semaphore(%run_scoped3A : memref<!tpu.dma_semaphore, #tpu.memory_space<semaphore_mem>>)
      %dma_wait3A_148 = arith.constant 0 : i32
      %dma_wait3A_149 = tpu.memref_slice %arg11[%dma_wait3A_148] : memref<128xi32, #tpu.memory_space<vmem>> -> memref<16xi32, #tpu.memory_space<vmem>>
      %dma_wait3A_150 = tpu.memref_slice %arg5[%add3A_106] : memref<320000xi32, #tpu.memory_space<hbm>> -> memref<16xi32, #tpu.memory_space<hbm>>
      %dma_wait3A_151 = arith.constant 0 : i32
      %dma_wait3A_152 = tpu.memref_slice %arg11[%dma_wait3A_151] : memref<128xi32, #tpu.memory_space<vmem>> -> memref<16xi32, #tpu.memory_space<vmem>>
      %dma_wait3A_153 = tpu.memref_slice %arg5[%add3A_106] : memref<320000xi32, #tpu.memory_space<hbm>> -> memref<16xi32, #tpu.memory_space<hbm>>
      tpu.wait_dma2 semaphore(%run_scoped3A : memref<!tpu.dma_semaphore, #tpu.memory_space<semaphore_mem>>) src(%dma_wait3A_153 : memref<16xi32, #tpu.memory_space<hbm>>) dst(%dma_wait3A_152 : memref<16xi32, #tpu.memory_space<vmem>>)
      tpu.yield
    }) : () -> ()
    %dma_start3A = arith.constant 0 : i32
    %dma_start3A_107 = arith.constant 0 : i32
    %dma_start3A_108 = tpu.memref_slice %arg6[%dma_start3A, %dma_start3A_107] : memref<10000x144xf32, #tpu.memory_space<hbm>> -> memref<10000x144xf32, #tpu.memory_space<hbm>>
    tpu.enqueue_indirect_dma source(%dma_start3A_108 : memref<10000x144xf32, #tpu.memory_space<hbm>>) target(%arg13 : memref<128x144xf32, #tpu.memory_space<vmem>>) offsets(%arg10 : memref<128xi32, #tpu.memory_space<vmem>>) semaphore(%arg15 : memref<!tpu.dma_semaphore, #tpu.memory_space<semaphore_mem>>)
    %scan3A_109 = arith.constant 0 : i32
    %scan3A_110 = arith.constant 0 : i32
    %mul3A_111 = arith.constant 16 : i32
    %mul3A_112 = arith.muli %scan3A_110, %mul3A_111 : i32
    %get3A = arith.index_cast %mul3A_112 : i32 to index
    %get3A_113 = tpu.vector_load %arg10[%get3A] {strides = array<i32>} : memref<128xi32, #tpu.memory_space<vmem>>, vector<16xi32>,
    %mul3A_114 = arith.constant 16 : i32
    %mul3A_115 = arith.muli %scan3A_110, %mul3A_114 : i32
    %get3A_116 = arith.index_cast %mul3A_115 : i32 to index
    %get3A_117 = tpu.vector_load %arg11[%get3A_116] {strides = array<i32>} : memref<128xi32, #tpu.memory_space<vmem>>, vector<16xi32>,
    %gather3A = tpu.vector_load_idx %arg8[%get3A_113] : memref<10000xf32, #tpu.memory_space<vmem>>[vector<16xi32>], vector<16xf32>,
    %gather3A_118 = tpu.vector_load_idx %arg9[%get3A_117] : memref<10000xf32, #tpu.memory_space<vmem>>[vector<16xi32>], vector<16xf32>,
    %add3A_119 = arith.addf %gather3A, %gather3A_118 : vector<16xf32>
    %ge3A_120 = arith.constant 0.000000e+00 : f32
    %ge3A_121 = vector.broadcast %ge3A_120 : f32 to vector<16xf32>
    %ge3A_122 = arith.cmpf oge, %add3A_119, %ge3A_121 : vector<16xf32>
    %mul3A_123 = arith.constant 2.000000e-01 : f32
    %mul3A_124 = vector.broadcast %mul3A_123 : f32 to vector<16xf32>
    %mul3A_125 = arith.mulf %mul3A_124, %add3A_119 : vector<16xf32>
    %select_n3A_126 = arith.select %ge3A_122, %add3A_119, %mul3A_125 : vector<16xi1>, vector<16xf32>
    %sub3A = vector.broadcast %select_n3A : f32 to vector<16xf32>
    %sub3A_127 = arith.subf %select_n3A_126, %sub3A : vector<16xf32>
    %exp3A = math.exp %sub3A_127 : vector<16xf32>
    %mul3A_128 = arith.constant 16 : i32
    %mul3A_129 = arith.muli %scan3A_110, %mul3A_128 : i32
    %swap3A_130 = arith.index_cast %mul3A_129 : i32 to index
    %swap3A_131 = tpu.vector_load %arg12[%swap3A_130] {strides = array<i32>} : memref<128xf32, #tpu.memory_space<vmem>>, vector<16xf32>,
    tpu.vector_store %arg12[%swap3A_130], %exp3A {strides = array<i32>} : memref<128xf32, #tpu.memory_space<vmem>>, vector<16xf32>,
    %scan3A_132 = arith.constant 1 : i32
    %dma_wait3A = arith.constant 0 : i32
    %dma_wait3A_133 = arith.constant 0 : i32
    %dma_wait3A_134 = tpu.memref_slice %arg6[%dma_wait3A, %dma_wait3A_133] : memref<10000x144xf32, #tpu.memory_space<hbm>> -> memref<10000x144xf32, #tpu.memory_space<hbm>>
    tpu.wait_indirect_dma semaphore(%arg15 : memref<!tpu.dma_semaphore, #tpu.memory_space<semaphore_mem>>) src(%dma_wait3A_134 : memref<10000x144xf32, #tpu.memory_space<hbm>>) dst(%arg13 : memref<128x144xf32, #tpu.memory_space<vmem>>)
    %scan3A_135 = arith.constant 0 : i32
    %scan3A_136 = arith.constant 0 : i32
    %scan3A_137 = arith.constant 128 : i32
    %scan3A_138 = arith.addi %scan3A_136, %scan3A_137 : i32
    %scan3A_139 = arith.constant 1 : i32
    scf.for %scan3A_142 = %scan3A_136 to %scan3A_138 step %scan3A_139  : i32 {
      %broadcast_in_dim3A_143 = vector.broadcast %scan3A_142 : i32 to vector<16xi32>
      %gather3A_144 = tpu.vector_load_idx %arg12[%broadcast_in_dim3A_143] : memref<128xf32, #tpu.memory_space<vmem>>[vector<16xi32>], vector<16xf32>,
      %get3A_145 = arith.index_cast %scan3A_142 : i32 to index
      %get3A_146 = arith.constant 0 : index
      %get3A_147 = tpu.vector_load %arg13[%get3A_145, %get3A_146] {strides = array<i32>} : memref<128x144xf32, #tpu.memory_space<vmem>>, vector<16xf32>,
      %mul3A_148 = arith.mulf %get3A_147, %gather3A_144 : vector<16xf32>
      %swap3A_149 = arith.index_cast %scan3A_142 : i32 to index
      %swap3A_150 = arith.constant 0 : index
      %swap3A_151 = tpu.vector_load %arg13[%swap3A_149, %swap3A_150] {strides = array<i32>} : memref<128x144xf32, #tpu.memory_space<vmem>>, vector<16xf32>,
      tpu.vector_store %arg13[%swap3A_149, %swap3A_150], %mul3A_148 {strides = array<i32>} : memref<128x144xf32, #tpu.memory_space<vmem>>, vector<16xf32>,
      %get3A_152 = arith.index_cast %scan3A_142 : i32 to index
      %get3A_153 = arith.constant 16 : index
      %get3A_154 = tpu.vector_load %arg13[%get3A_152, %get3A_153] {strides = array<i32>} : memref<128x144xf32, #tpu.memory_space<vmem>>, vector<16xf32>,
      %mul3A_155 = arith.mulf %get3A_154, %gather3A_144 : vector<16xf32>
      %swap3A_156 = arith.index_cast %scan3A_142 : i32 to index
      %swap3A_157 = arith.constant 16 : index
      %swap3A_158 = tpu.vector_load %arg13[%swap3A_156, %swap3A_157] {strides = array<i32>} : memref<128x144xf32, #tpu.memory_space<vmem>>, vector<16xf32>,
      tpu.vector_store %arg13[%swap3A_156, %swap3A_157], %mul3A_155 {strides = array<i32>} : memref<128x144xf32, #tpu.memory_space<vmem>>, vector<16xf32>,
      %get3A_159 = arith.index_cast %scan3A_142 : i32 to index
      %get3A_160 = arith.constant 32 : index
      %get3A_161 = tpu.vector_load %arg13[%get3A_159, %get3A_160] {strides = array<i32>} : memref<128x144xf32, #tpu.memory_space<vmem>>, vector<16xf32>,
      %mul3A_162 = arith.mulf %get3A_161, %gather3A_144 : vector<16xf32>
      %swap3A_163 = arith.index_cast %scan3A_142 : i32 to index
      %swap3A_164 = arith.constant 32 : index
      %swap3A_165 = tpu.vector_load %arg13[%swap3A_163, %swap3A_164] {strides = array<i32>} : memref<128x144xf32, #tpu.memory_space<vmem>>, vector<16xf32>,
      tpu.vector_store %arg13[%swap3A_163, %swap3A_164], %mul3A_162 {strides = array<i32>} : memref<128x144xf32, #tpu.memory_space<vmem>>, vector<16xf32>,
      %get3A_166 = arith.index_cast %scan3A_142 : i32 to index
      %get3A_167 = arith.constant 48 : index
      %get3A_168 = tpu.vector_load %arg13[%get3A_166, %get3A_167] {strides = array<i32>} : memref<128x144xf32, #tpu.memory_space<vmem>>, vector<16xf32>,
      %mul3A_169 = arith.mulf %get3A_168, %gather3A_144 : vector<16xf32>
      %swap3A_170 = arith.index_cast %scan3A_142 : i32 to index
      %swap3A_171 = arith.constant 48 : index
      %swap3A_172 = tpu.vector_load %arg13[%swap3A_170, %swap3A_171] {strides = array<i32>} : memref<128x144xf32, #tpu.memory_space<vmem>>, vector<16xf32>,
      tpu.vector_store %arg13[%swap3A_170, %swap3A_171], %mul3A_169 {strides = array<i32>} : memref<128x144xf32, #tpu.memory_space<vmem>>, vector<16xf32>,
      %get3A_173 = arith.index_cast %scan3A_142 : i32 to index
      %get3A_174 = arith.constant 64 : index
      %get3A_175 = tpu.vector_load %arg13[%get3A_173, %get3A_174] {strides = array<i32>} : memref<128x144xf32, #tpu.memory_space<vmem>>, vector<16xf32>,
      %mul3A_176 = arith.mulf %get3A_175, %gather3A_144 : vector<16xf32>
      %swap3A_177 = arith.index_cast %scan3A_142 : i32 to index
      %swap3A_178 = arith.constant 64 : index
      %swap3A_179 = tpu.vector_load %arg13[%swap3A_177, %swap3A_178] {strides = array<i32>} : memref<128x144xf32, #tpu.memory_space<vmem>>, vector<16xf32>,
      tpu.vector_store %arg13[%swap3A_177, %swap3A_178], %mul3A_176 {strides = array<i32>} : memref<128x144xf32, #tpu.memory_space<vmem>>, vector<16xf32>,
      %get3A_180 = arith.index_cast %scan3A_142 : i32 to index
      %get3A_181 = arith.constant 80 : index
      %get3A_182 = tpu.vector_load %arg13[%get3A_180, %get3A_181] {strides = array<i32>} : memref<128x144xf32, #tpu.memory_space<vmem>>, vector<16xf32>,
      %mul3A_183 = arith.mulf %get3A_182, %gather3A_144 : vector<16xf32>
      %swap3A_184 = arith.index_cast %scan3A_142 : i32 to index
      %swap3A_185 = arith.constant 80 : index
      %swap3A_186 = tpu.vector_load %arg13[%swap3A_184, %swap3A_185] {strides = array<i32>} : memref<128x144xf32, #tpu.memory_space<vmem>>, vector<16xf32>,
      tpu.vector_store %arg13[%swap3A_184, %swap3A_185], %mul3A_183 {strides = array<i32>} : memref<128x144xf32, #tpu.memory_space<vmem>>, vector<16xf32>,
      %get3A_187 = arith.index_cast %scan3A_142 : i32 to index
      %get3A_188 = arith.constant 96 : index
      %get3A_189 = tpu.vector_load %arg13[%get3A_187, %get3A_188] {strides = array<i32>} : memref<128x144xf32, #tpu.memory_space<vmem>>, vector<16xf32>,
      %mul3A_190 = arith.mulf %get3A_189, %gather3A_144 : vector<16xf32>
      %swap3A_191 = arith.index_cast %scan3A_142 : i32 to index
      %swap3A_192 = arith.constant 96 : index
      %swap3A_193 = tpu.vector_load %arg13[%swap3A_191, %swap3A_192] {strides = array<i32>} : memref<128x144xf32, #tpu.memory_space<vmem>>, vector<16xf32>,
      tpu.vector_store %arg13[%swap3A_191, %swap3A_192], %mul3A_190 {strides = array<i32>} : memref<128x144xf32, #tpu.memory_space<vmem>>, vector<16xf32>,
      %get3A_194 = arith.index_cast %scan3A_142 : i32 to index
      %get3A_195 = arith.constant 112 : index
      %get3A_196 = tpu.vector_load %arg13[%get3A_194, %get3A_195] {strides = array<i32>} : memref<128x144xf32, #tpu.memory_space<vmem>>, vector<16xf32>,
      %mul3A_197 = arith.mulf %get3A_196, %gather3A_144 : vector<16xf32>
      %swap3A_198 = arith.index_cast %scan3A_142 : i32 to index
      %swap3A_199 = arith.constant 112 : index
      %swap3A_200 = tpu.vector_load %arg13[%swap3A_198, %swap3A_199] {strides = array<i32>} : memref<128x144xf32, #tpu.memory_space<vmem>>, vector<16xf32>,
      tpu.vector_store %arg13[%swap3A_198, %swap3A_199], %mul3A_197 {strides = array<i32>} : memref<128x144xf32, #tpu.memory_space<vmem>>, vector<16xf32>,
      %get3A_201 = arith.index_cast %scan3A_142 : i32 to index
      %get3A_202 = arith.constant 128 : index
      %get3A_203 = tpu.vector_load %arg13[%get3A_201, %get3A_202] {strides = array<i32>} : memref<128x144xf32, #tpu.memory_space<vmem>>, vector<16xf32>,
      %mul3A_204 = arith.mulf %get3A_203, %gather3A_144 : vector<16xf32>
      %swap3A_205 = arith.index_cast %scan3A_142 : i32 to index
      %swap3A_206 = arith.constant 128 : index
      %swap3A_207 = tpu.vector_load %arg13[%swap3A_205, %swap3A_206] {strides = array<i32>} : memref<128x144xf32, #tpu.memory_space<vmem>>, vector<16xf32>,
      tpu.vector_store %arg13[%swap3A_205, %swap3A_206], %mul3A_204 {strides = array<i32>} : memref<128x144xf32, #tpu.memory_space<vmem>>, vector<16xf32>,
    }
    %scan3A_140 = arith.constant 128 : i32
    "tpu.region"() ({
      %run_scoped3A = tpu.sem_alloc : memref<!tpu.dma_semaphore, #tpu.memory_space<semaphore_mem>>
      %dma_start3A_142 = arith.constant 0 : i32
      %dma_start3A_143 = arith.constant 0 : i32
      %dma_start3A_144 = tpu.memref_slice %arg14[%dma_start3A_142, %dma_start3A_143] : memref<10000x144xf32, #tpu.memory_space<vmem_shared>> -> memref<10000x144xf32, #tpu.memory_space<vmem_shared>>
      tpu.enqueue_indirect_dma source(%arg13 : memref<128x144xf32, #tpu.memory_space<vmem>>) target(%dma_start3A_144 : memref<10000x144xf32, #tpu.memory_space<vmem_shared>>) offsets(%arg11 : memref<128xi32, #tpu.memory_space<vmem>>) semaphore(%run_scoped3A : memref<!tpu.dma_semaphore, #tpu.memory_space<semaphore_mem>>) {add = true}
      %dma_wait3A_145 = arith.constant 0 : i32
      %dma_wait3A_146 = arith.constant 0 : i32
      %dma_wait3A_147 = tpu.memref_slice %arg14[%dma_wait3A_145, %dma_wait3A_146] : memref<10000x144xf32, #tpu.memory_space<vmem_shared>> -> memref<10000x144xf32, #tpu.memory_space<vmem_shared>>
      tpu.wait_indirect_dma semaphore(%run_scoped3A : memref<!tpu.dma_semaphore, #tpu.memory_space<semaphore_mem>>) src(%arg13 : memref<128x144xf32, #tpu.memory_space<vmem>>) dst(%dma_wait3A_147 : memref<10000x144xf32, #tpu.memory_space<vmem_shared>>)
      tpu.yield
    }) : () -> ()
    %barrier3A_141 = arith.constant 0 : index
    tpu.barrier barrier_id(%barrier3A_141)
    "tpu.region"() ({
      %run_scoped3A = tpu.sem_alloc : memref<!tpu.dma_semaphore, #tpu.memory_space<semaphore_mem>>
      %dma_start3A_142 = arith.constant 0 : i32
      %dma_start3A_143 = tpu.memref_slice %arg7[%arg0, %mul3A_4, %dma_start3A_142] : memref<2x10000x144xf32, #tpu.memory_space<hbm>> -> memref<1x625x144xf32, #tpu.memory_space<hbm>>
      %dma_start3A_144 = tpu.memref_squeeze %dma_start3A_143 : memref<1x625x144xf32, #tpu.memory_space<hbm>> -> memref<625x144xf32, #tpu.memory_space<hbm>>
      %dma_start3A_145 = arith.constant 0 : i32
      %dma_start3A_146 = tpu.memref_slice %arg14[%mul3A_4, %dma_start3A_145] : memref<10000x144xf32, #tpu.memory_space<vmem_shared>> -> memref<625x144xf32, #tpu.memory_space<vmem_shared>>
      tpu.enqueue_dma source(%dma_start3A_146 : memref<625x144xf32, #tpu.memory_space<vmem_shared>>) target(%dma_start3A_144 : memref<625x144xf32, #tpu.memory_space<hbm>>) target_semaphore(%run_scoped3A : memref<!tpu.dma_semaphore, #tpu.memory_space<semaphore_mem>>)
      %dma_wait3A_147 = arith.constant 0 : i32
      %dma_wait3A_148 = tpu.memref_slice %arg7[%arg0, %mul3A_4, %dma_wait3A_147] : memref<2x10000x144xf32, #tpu.memory_space<hbm>> -> memref<1x625x144xf32, #tpu.memory_space<hbm>>
      %dma_wait3A_149 = tpu.memref_squeeze %dma_wait3A_148 : memref<1x625x144xf32, #tpu.memory_space<hbm>> -> memref<625x144xf32, #tpu.memory_space<hbm>>
      %dma_wait3A_150 = arith.constant 0 : i32
      %dma_wait3A_151 = tpu.memref_slice %arg14[%mul3A_4, %dma_wait3A_150] : memref<10000x144xf32, #tpu.memory_space<vmem_shared>> -> memref<625x144xf32, #tpu.memory_space<vmem_shared>>
      tpu.wait_dma2 semaphore(%run_scoped3A : memref<!tpu.dma_semaphore, #tpu.memory_space<semaphore_mem>>) src(%dma_wait3A_151 : memref<625x144xf32, #tpu.memory_space<vmem_shared>>) dst(%dma_wait3A_149 : memref<625x144xf32, #tpu.memory_space<hbm>>)
      tpu.yield
    }) : () -> ()
    return
  }
}

module attributes {stable_mosaic.version = 14 : i64} {
  func.func @_proj_body(%arg0: i32, %arg1: memref<2000x128xf32, #tpu.memory_space<vmem>>, %arg2: memref<128x128xf32, #tpu.memory_space<vmem>>, %arg3: memref<256x1xf32, #tpu.memory_space<vmem>>, %arg4: memref<2000x144xf32, #tpu.memory_space<vmem>>, %arg5: memref<2000x1xf32, #tpu.memory_space<vmem>>, %arg6: memref<2000x1xf32, #tpu.memory_space<vmem>>) attributes {dimension_semantics = [#tpu.dimension_semantics<arbitrary>], iteration_bounds = array<i64: 5>, scalar_prefetch = 0 : i64, scratch_operands = 0 : i64, tpu.core_type = #tpu.core_type<tc>, window_params = [{transform_indices = @transform_0, window_bounds = array<i64: 2000, 128>}, {pipeline_mode = #tpu.pipeline_mode<synchronous>, transform_indices = @transform_1, window_bounds = array<i64: 128, 128>}, {pipeline_mode = #tpu.pipeline_mode<synchronous>, transform_indices = @transform_2, window_bounds = array<i64: 256, 1>}, {transform_indices = @transform_3, window_bounds = array<i64: 2000, 144>}, {transform_indices = @transform_4, window_bounds = array<i64: 2000, 1>}, {transform_indices = @transform_5, window_bounds = array<i64: 2000, 1>}]} {
    %get3A = arith.constant 0 : index
    %get3A_0 = arith.constant 0 : index
    %get3A_1 = vector.load %arg1[%get3A, %get3A_0] : memref<2000x128xf32, #tpu.memory_space<vmem>>, vector<2000x128xf32>
    %get3A_2 = arith.constant 0 : index
    %get3A_3 = arith.constant 0 : index
    %get3A_4 = vector.load %arg2[%get3A_2, %get3A_3] : memref<128x128xf32, #tpu.memory_space<vmem>>, vector<128x128xf32>
    %dot_general3A = arith.constant dense<0.000000e+00> : vector<2000x128xf32>
    %dot_general3A_5 = tpu.matmul %get3A_1, %get3A_4, %dot_general3A {dimension_numbers = #tpu.dot_dimension_numbers<[1], [0], [0], [1], [0, 0, 1, 1], [], []>, transpose_lhs_hint = false} : vector<2000x128xf32>, vector<128x128xf32>, vector<2000x128xf32> -> vector<2000x128xf32>
    %iota3A = tpu.iota {dimensions = array<i32: 1>} : vector<2000x16xi32>
    %eq3A = arith.constant 0 : i32
    %eq3A_6 = vector.broadcast %eq3A : i32 to vector<2000x16xi32>
    %eq3A_7 = arith.cmpi eq, %iota3A, %eq3A_6 : vector<2000x16xi32>
    %jit3A = arith.constant 1.000000e+00 : f32
    %jit3A_8 = arith.constant 0.000000e+00 : f32
    %broadcast_in_dim3A = vector.broadcast %jit3A : f32 to vector<2000x16xf32>
    %broadcast_in_dim3A_9 = vector.broadcast %jit3A_8 : f32 to vector<2000x16xf32>
    %select_n3A = arith.select %eq3A_7, %broadcast_in_dim3A, %broadcast_in_dim3A_9 : vector<2000x16xi1>, vector<2000x16xf32>
    %concatenate3A = tpu.concatenate %dot_general3A_5, %select_n3A in 1 : vector<2000x128xf32>, vector<2000x16xf32> -> vector<2000x144xf32>
    %swap3A = arith.constant 0 : index
    %swap3A_10 = arith.constant 0 : index
    %swap3A_11 = vector.load %arg4[%swap3A, %swap3A_10] : memref<2000x144xf32, #tpu.memory_space<vmem>>, vector<2000x144xf32>
    tpu.vector_store %arg4[%swap3A, %swap3A_10], %concatenate3A {strides = array<i32>} : memref<2000x144xf32, #tpu.memory_space<vmem>>, vector<2000x144xf32>,
    %get3A_12 = arith.constant 0 : index
    %get3A_13 = arith.constant 0 : index
    %get3A_14 = vector.load %arg3[%get3A_12, %get3A_13] : memref<256x1xf32, #tpu.memory_space<vmem>>, vector<128x1xf32>
    %dot_general3A_15 = arith.constant dense<0.000000e+00> : vector<2000x1xf32>
    %dot_general3A_16 = tpu.matmul %dot_general3A_5, %get3A_14, %dot_general3A_15 {dimension_numbers = #tpu.dot_dimension_numbers<[1], [0], [0], [1], [0, 0, 1, 1], [], []>, transpose_lhs_hint = false} : vector<2000x128xf32>, vector<128x1xf32>, vector<2000x1xf32> -> vector<2000x1xf32>
    %swap3A_17 = arith.constant 0 : index
    %swap3A_18 = arith.constant 0 : index
    %swap3A_19 = vector.load %arg5[%swap3A_17, %swap3A_18] : memref<2000x1xf32, #tpu.memory_space<vmem>>, vector<2000x1xf32>
    tpu.vector_store %arg5[%swap3A_17, %swap3A_18], %dot_general3A_16 {strides = array<i32>} : memref<2000x1xf32, #tpu.memory_space<vmem>>, vector<2000x1xf32>,
    %get3A_20 = arith.constant 128 : index
    %get3A_21 = arith.constant 0 : index
    %get3A_22 = vector.load %arg3[%get3A_20, %get3A_21] : memref<256x1xf32, #tpu.memory_space<vmem>>, vector<128x1xf32>
    %dot_general3A_23 = arith.constant dense<0.000000e+00> : vector<2000x1xf32>
    %dot_general3A_24 = tpu.matmul %dot_general3A_5, %get3A_22, %dot_general3A_23 {dimension_numbers = #tpu.dot_dimension_numbers<[1], [0], [0], [1], [0, 0, 1, 1], [], []>, transpose_lhs_hint = false} : vector<2000x128xf32>, vector<128x1xf32>, vector<2000x1xf32> -> vector<2000x1xf32>
    %swap3A_25 = arith.constant 0 : index
    %swap3A_26 = arith.constant 0 : index
    %swap3A_27 = vector.load %arg6[%swap3A_25, %swap3A_26] : memref<2000x1xf32, #tpu.memory_space<vmem>>, vector<2000x1xf32>
    tpu.vector_store %arg6[%swap3A_25, %swap3A_26], %dot_general3A_24 {strides = array<i32>} : memref<2000x1xf32, #tpu.memory_space<vmem>>, vector<2000x1xf32>,
    return
  }
  func.func @transform_0(%arg0: i32) -> (i32, i32) {
    %c0_i32 = arith.constant 0 : i32
    %c0_i32_0 = arith.constant 0 : i32
    return %arg0, %c0_i32 : i32, i32
  }
  func.func @transform_1(%arg0: i32) -> (i32, i32) {
    %c0_i32 = arith.constant 0 : i32
    %c0_i32_0 = arith.constant 0 : i32
    %c0_i32_1 = arith.constant 0 : i32
    return %c0_i32, %c0_i32_0 : i32, i32
  }
  func.func @transform_2(%arg0: i32) -> (i32, i32) {
    %c0_i32 = arith.constant 0 : i32
    %c0_i32_0 = arith.constant 0 : i32
    %c0_i32_1 = arith.constant 0 : i32
    return %c0_i32, %c0_i32_0 : i32, i32
  }
  func.func @transform_3(%arg0: i32) -> (i32, i32) {
    %c0_i32 = arith.constant 0 : i32
    %c0_i32_0 = arith.constant 0 : i32
    return %arg0, %c0_i32 : i32, i32
  }
  func.func @transform_4(%arg0: i32) -> (i32, i32) {
    %c0_i32 = arith.constant 0 : i32
    %c0_i32_0 = arith.constant 0 : i32
    return %arg0, %c0_i32 : i32, i32
  }
  func.func @transform_5(%arg0: i32) -> (i32, i32) {
    %c0_i32 = arith.constant 0 : i32
    %c0_i32_0 = arith.constant 0 : i32
    return %arg0, %c0_i32 : i32, i32
  }
}

module attributes {stable_mosaic.version = 14 : i64} {
  func.func @_comb_body(%arg0: i32, %arg1: memref<2x2000x144xf32, #tpu.memory_space<vmem>>, %arg2: memref<2000x128xf32, #tpu.memory_space<vmem>>) attributes {dimension_semantics = [#tpu.dimension_semantics<arbitrary>], iteration_bounds = array<i64: 5>, scalar_prefetch = 0 : i64, scratch_operands = 0 : i64, tpu.core_type = #tpu.core_type<tc>, window_params = [{transform_indices = @transform_0, window_bounds = array<i64: 2, 2000, 144>}, {transform_indices = @transform_1, window_bounds = array<i64: 2000, 128>}]} {
    %get3A = arith.constant 0 : index
    %get3A_0 = arith.constant 0 : index
    %get3A_1 = arith.constant 0 : index
    %get3A_2 = vector.load %arg1[%get3A, %get3A_0, %get3A_1] : memref<2x2000x144xf32, #tpu.memory_space<vmem>>, vector<1x2000x144xf32>
    %get3A_3 = vector.shape_cast %get3A_2 : vector<1x2000x144xf32> to vector<2000x144xf32>
    %get3A_4 = arith.constant 1 : index
    %get3A_5 = arith.constant 0 : index
    %get3A_6 = arith.constant 0 : index
    %get3A_7 = vector.load %arg1[%get3A_4, %get3A_5, %get3A_6] : memref<2x2000x144xf32, #tpu.memory_space<vmem>>, vector<1x2000x144xf32>
    %get3A_8 = vector.shape_cast %get3A_7 : vector<1x2000x144xf32> to vector<2000x144xf32>
    %add3A = arith.addf %get3A_3, %get3A_8 : vector<2000x144xf32>
    %slice3A = vector.extract_strided_slice %add3A {offsets = [0, 0], sizes = [2000, 128], strides = [1, 1]} : vector<2000x144xf32> to vector<2000x128xf32>
    %slice3A_9 = vector.extract_strided_slice %add3A {offsets = [0, 128], sizes = [2000, 1], strides = [1, 1]} : vector<2000x144xf32> to vector<2000x1xf32>
    %gt3A = arith.constant 0.000000e+00 : f32
    %gt3A_10 = vector.broadcast %gt3A : f32 to vector<2000x1xf32>
    %gt3A_11 = arith.cmpf ogt, %slice3A_9, %gt3A_10 : vector<2000x1xf32>
    %div3A = vector.broadcast %slice3A_9 : vector<2000x1xf32> to vector<2000x128xf32>
    %div3A_12 = arith.divf %slice3A, %div3A : vector<2000x128xf32>
    %jit3A = arith.constant 0.000000e+00 : f32
    %broadcast_in_dim3A = vector.shape_cast %gt3A_11 : vector<2000x1xi1> to vector<2000x1xi1>
    %broadcast_in_dim3A_13 = vector.broadcast %broadcast_in_dim3A : vector<2000x1xi1> to vector<2000x128xi1>
    %broadcast_in_dim3A_14 = vector.broadcast %jit3A : f32 to vector<2000x128xf32>
    %select_n3A = arith.select %broadcast_in_dim3A_13, %div3A_12, %broadcast_in_dim3A_14 : vector<2000x128xi1>, vector<2000x128xf32>
    %swap3A = arith.constant 0 : index
    %swap3A_15 = arith.constant 0 : index
    %swap3A_16 = vector.load %arg2[%swap3A, %swap3A_15] : memref<2000x128xf32, #tpu.memory_space<vmem>>, vector<2000x128xf32>
    tpu.vector_store %arg2[%swap3A, %swap3A_15], %select_n3A {strides = array<i32>} : memref<2000x128xf32, #tpu.memory_space<vmem>>, vector<2000x128xf32>,
    return
  }
  func.func @transform_0(%arg0: i32) -> (i32, i32, i32) {
    %c0_i32 = arith.constant 0 : i32
    %c0_i32_0 = arith.constant 0 : i32
    %c0_i32_1 = arith.constant 0 : i32
    return %c0_i32, %arg0, %c0_i32_0 : i32, i32, i32
  }
  func.func @transform_1(%arg0: i32) -> (i32, i32) {
    %c0_i32 = arith.constant 0 : i32
    %c0_i32_0 = arith.constant 0 : i32
    return %arg0, %c0_i32 : i32, i32
  }
}

</mosaic_0001>

<sc_bundles>
// kernel: kernel.5.cloned.1.call-start
scs
__scs_entry_jumppad:
0x0: {  	(pc) =	sbr.rel $0x88, $3  }
0x1: {  	(tag) =	ssettag $0x0;
	lr =	simm.s32 $0x1  }
0x2: {  	[smem:$0x3F9D] =	sst lr;
	_ =	strace $0xD0000000  }
0x3: {  	_ = 	snop  }
0x4: {  	_ = 	snop  }
0x5: {  	_ = 	snop  }
0x6: {  	_ = 	snop  }
0x7: {  	_ = 	snop  }
__scs_overlays_trampoline_lowered:
0x8: {  	[smem:$0x3FAC] =	sst s0  }
0x9: {  	[smem:$0x3FAD] =	sst s1  }
0xa: {  	[smem:$0x3FAE] =	sst s2  }
0xb: {  	[smem:$0x3FAF] =	sst s3  }
0xc: {  	[smem:$0x3FB0] =	sst s4  }
0xd: {  	[smem:$0x3FB1] =	sst s5  }
0xe: {  	[smem:$0x3FB2] =	sst s6  }
0xf: {  	[smem:$0x3FB3] =	sst s7  }
0x10: {  	[smem:$0x3FB4] =	sst s8  }
0x11: {  	[smem:$0x3FB5] =	sst s9;
	s0 =	simm.s32 @!p0 $0x0  }
0x12: {  	s1 =	sld [smem:$0x3F9B];
	s0 =	simm.s32 @p0 $0x1  }
0x13: {  	[smem:$0x3FB6] =	sst s0;
	s0 =	simm.s32 @!p1 $0x0  }
0x14: {  	s2 =	sld [smem:$0x3F9A];
	s0 =	simm.s32 @p1 $0x1  }
0x15: {  	[smem:$0x3FB7] =	sst s0;
	s0 =	simm.s32 @!p2 $0x0  }
0x16: {  	s3 =	sld [smem:$0x3FDB];
	s0 =	simm.s32 @p2 $0x1  }
0x17: {  	s4 =	simm.s32 $0x1BF5;
	[smem:$0x3FB9] =	sst s0  }
0x18: {  	s0 =	sld [smem:$0x3F9C];
	_ =	swait.ge [sflag:s4], $0x0  }
0x19: {  	s7 =	sld [smem:$0x3F9D]  }
0x1a: {  	s8 =	sadd.s32 $0xFFFFE003, lr  }
0x1b: {  	s9 =	sadd.s32 $0xFFFFFEF7, lr;
	s5 =	simm.s32 $0xFFFFFFFF;
	p2 =	slt.u32 s8, $0xFFFFF086  }
0x1c: {  	p1 =	slt.u32 s9, $0xF7A;
	s5 =	simm.s32 @!p2 $0x0  }
0x1d: {  	s5 =	simm.s32 @p1 $0x1;
	p0 =	seq.s32 s7, s2  }
0x1e: {  	s7 =	smul.u32 @!p0 $0xF7A, s2;
	p2 =	seq.s32 @!p0 s5, $0x0  }
0x1f: {  	s9 =	smul.u32 $0xF7A, s1;
	s8 =	simm.s32 @!p0 $0x1BF5;
	p2 =	por !p2, p0  }
0x20: {  	[sflag:s8] =	ssyncset.s32 @!p0 $0xFFFFF086;
	s6 =	sadd.s32 @!p0 s3, s7;
	s7 =	simm.s32 @!p0 $0x108  }
0x21: {  	s3 =	sadd.s32 s3, s9;
	s6 =	sadd.s32 @!p0 $0x88, s6;
	s7 =	simm.s32 @p2 $0x1082  }
0x22: {  	[simem:s7], [sflag:s8] =	dma.local @!p0 [hbm:s6], $0xF7A  }
0x23: {  	s9 =	sor.u32 $0xD0000000, s2;
	s6 =	simm.s32 $0x108;
	_ =	swait.ge @!p0 [sflag:s8], $0x0  }
0x24: {  	s3 =	sadd.s32 $0x88, s3;
	s6 =	simm.s32 @!p1 $0x1082;
	[sflag:s4] =	ssyncset.s32 $0xFFFFF086  }
0x25: {  	[simem:s6], [sflag:s4] =	dma.local [hbm:s3], $0xF7A  }
0x26: {  	[smem:$0x3F9D] =	sst s1;
	(tag) =	ssettag s2;
	_ =	strace s9  }
0x27: {  	s1 =	sld [smem:$0x3FAD]  }
0x28: {  	s2 =	sld [smem:$0x3FAE]  }
0x29: {  	s4 =	sld [smem:$0x3FB0]  }
0x2a: {  	p0 =	seq.s32 s5, $0x0;
	s5 =	sld [smem:$0x3FB1]  }
0x2b: {  	s6 =	sld [smem:$0x3FB2]  }
0x2c: {  	s7 =	sld [smem:$0x3FB3]  }
0x2d: {  	s3 =	simm.s32 $0x108;
	s8 =	sld [smem:$0x3FB4]  }
0x2e: {  	s3 =	simm.s32 @!p0 $0x1082;
	s9 =	sld [smem:$0x3FB5]  }
0x2f: {  	lr =	sadd.s32 s0, s3;
	s0 =	sld [smem:$0x3FAC]  }
0x30: {  	s3 =	sld [smem:$0x3FAF]  }
0x31: {  	[smem:$0x3FB8] =	sst s10  }
0x32: {  	s10 =	sld [smem:$0x3FB6];
	_ =	sdelay $0x3  }
0x33: {  	p0 =	seq.s32 s10, $0x1;
	s10 =	sld [smem:$0x3FB8];
	_ =	sdelay $0x3  }
0x34: {  	[smem:$0x3FB8] =	sst s10  }
0x35: {  	s10 =	sld [smem:$0x3FB7];
	_ =	sdelay $0x3  }
0x36: {  	p1 =	seq.s32 s10, $0x1;
	s10 =	sld [smem:$0x3FB8];
	_ =	sdelay $0x3  }
0x37: {  	[smem:$0x3FB8] =	sst s10  }
0x38: {  	s10 =	sld [smem:$0x3FB9]  }
0x39: {  	_ = 	snop;
	(pc) =	sbr.ind lr, $3  }
0x3a: {  	_ = 	snop  }
0x3b: {  	_ = 	snop  }
0x3c: {  	p2 =	seq.s32 s10, $0x1;
	s10 =	sld [smem:$0x3FB8]  }
0x3d: {  	_ =	shalt  }
0x3e: {  	_ =	shalt  }
0x3f: {  	_ =	shalt  }
0x40: {  	_ =	shalt  }
0x41: {  	_ =	shalt  }
0x42: {  	_ =	shalt  }
0x43: {  	_ =	shalt  }
0x44: {  	_ =	shalt  }
0x45: {  	_ =	shalt  }
0x46: {  	_ =	shalt  }
0x47: {  	_ =	shalt  }
0x48: {  	_ =	shalt  }
0x49: {  	_ =	shalt  }
0x4a: {  	_ =	shalt  }
0x4b: {  	_ =	shalt  }
0x4c: {  	_ =	shalt  }
0x4d: {  	_ =	shalt  }
0x4e: {  	_ =	shalt  }
0x4f: {  	_ =	shalt  }
0x50: {  	_ =	shalt  }
0x51: {  	_ =	shalt  }
0x52: {  	_ =	shalt  }
0x53: {  	_ =	shalt  }
0x54: {  	_ =	shalt  }
0x55: {  	_ =	shalt  }
0x56: {  	_ =	shalt  }
0x57: {  	_ =	shalt  }
0x58: {  	_ =	shalt  }
0x59: {  	_ =	shalt  }
0x5a: {  	_ =	shalt  }
0x5b: {  	_ =	shalt  }
0x5c: {  	_ =	shalt  }
0x5d: {  	_ =	shalt  }
0x5e: {  	_ =	shalt  }
0x5f: {  	_ =	shalt  }
0x60: {  	_ =	shalt  }
0x61: {  	_ =	shalt  }
0x62: {  	_ =	shalt  }
0x63: {  	_ =	shalt  }
0x64: {  	_ =	shalt  }
0x65: {  	_ =	shalt  }
0x66: {  	_ =	shalt  }
0x67: {  	_ =	shalt  }
0x68: {  	_ =	shalt  }
0x69: {  	_ =	shalt  }
0x6a: {  	_ =	shalt  }
0x6b: {  	_ =	shalt  }
0x6c: {  	_ =	shalt  }
0x6d: {  	_ =	shalt  }
0x6e: {  	_ =	shalt  }
0x6f: {  	_ =	shalt  }
0x70: {  	_ =	shalt  }
0x71: {  	_ =	shalt  }
0x72: {  	_ =	shalt  }
0x73: {  	_ =	shalt  }
0x74: {  	_ =	shalt  }
0x75: {  	_ =	shalt  }
0x76: {  	_ =	shalt  }
0x77: {  	_ =	shalt  }
0x78: {  	_ =	shalt  }
0x79: {  	_ =	shalt  }
0x7a: {  	_ =	shalt  }
0x7b: {  	_ =	shalt  }
0x7c: {  	_ =	shalt  }
0x7d: {  	_ =	shalt  }
0x7e: {  	_ =	shalt  }
0x7f: {  	_ =	shalt  }
0x80: {  	_ =	shalt  }
0x81: {  	_ =	shalt  }
0x82: {  	_ =	shalt  }
0x83: {  	_ =	shalt  }
0x84: {  	_ =	shalt  }
0x85: {  	_ =	shalt  }
0x86: {  	_ =	shalt  }
0x87: {  	_ =	shalt  }
.Lfunc_end0:
.L_simem_size_0:
called_computation_lowered:
.L_overlay_start_0:
0x88: {  	s2 =	sld [smem:$0x3FD9]  }
0x89: {  	s3 =	sld [smem:$0x3FFE];
	_ =	sdelay $0x1  }
0x8a: {  	s1 =	srdreg.scid  }
0x8b: {  	s0 =	sand.u32 $0x1, s1  }
0x8c: {  	s17 =	sshll.u32 s0, $0xA;
	s2 =	sadd.s32 s3, s2  }
0x8d: {  	s2 =	sadd.s32 s2, s17  }
0x8e: {  	[smem:$0x3FC4] =	sst s2  }
0x8f: {  	_ = 	snop  }
0x90: {  	s2 =	sld [smem:$0x3FD0];
	(tm) =	ssettm $0x1  }
0x91: {  	s18 =	sld [smem:$0x3FFB];
	_ =	sdelay $0x3  }
0x92: {  	_ =	strace s18  }
0x93: {  	s3 =	sld [smem:$0x3FFC];
	_ =	sdelay $0x3  }
0x94: {  	_ =	strace s3  }
0x95: {  	s3 =	sld [smem:$0x3FFD];
	_ =	sdelay $0x3  }
0x96: {  	_ =	strace s3  }
0x97: {  	_ =	strace $0x8FFFFFFF  }
0x98: {  	s19 =	sld [smem:$0x3FDB];
	_ =	sdelay $0x1  }
0x99: {  	s4 =	simm.s32 $_scs_section_size  }
0x9a: {  	s5 =	simm.s32 $_size__tile_overlayer_lowered;
	s6 =	simm.s32 $_tile_overlayer_lowered  }
0x9b: {  	s22 =	simm.s32 $0x1BFF;
	s21 =	sshll.u32 s6, $0x1;
	s3 =	sadd.s32 s4, s19  }
0x9c: {  	s7 =	simm.s32 $0x0;
	s20 =	sshll.u32 s5, $0x1;
	s5 =	sadd.s32 s21, s3  }
0x9d: {  	[timem:s7], [sflag:s22] =	dma.local [hbm:s5], s20  }
0x9e: {  	_ =	swait.ge [sflag:s22], s20  }
0x9f: {  	s4 =	ssub.s32 $0x0, s20;
	[sflag:s22] =	ssyncset.done $0x0  }
0xa0: {  	[sflag:s22] =	ssyncadd.s32 s4;
	_ =	sdelay $0x1  }
0xa1: {  	s23 =	simm.s32 $0x1B8B  }
0xa2: {  	_ =	swait.ge [sflag:s23], $0x1  }
0xa3: {  	[sflag:s23] =	ssyncset.done $0x0  }
0xa4: {  	s25 =	simm.s32 $0x1B8E;
	s24 =	sld [smem:$0x3FFE];
	[sflag:s23] =	ssyncadd.s32 $0xFFFFFFFF  }
0xa5: {  	s26 =	simm.s32 $execute0_lowered;
	[smem:$0x3FD2] =	sst s25  }
0xa6: {  	s5 =	sshll.u32 s26, $0x1;
	_ =	strace $0x80000046;
	[dreg:$0x1] =	wrdreg $0xFFFFFFFF  }
0xa7: {  	s28 =	simm.s32 $_size_execute0_lowered;
	s3 =	sadd.s32 s3, s5;
	[dreg:$0x0] =	wrdreg $0x0  }
0xa8: {  	s5 =	sshll.u32 s28, $0x1;
	[dreg:$0x2] =	wrdreg s3  }
0xa9: {  	[dreg:$0x3] =	wrdreg s5  }
0xaa: {  	[dreg:$0x4] =	wrdreg $0xC0  }
0xab: {  	_ =	task [dreg:s7], $0x5FFFF  }
0xac: {  	[dreg:$0x1] =	wrdreg $0xFFFFFFFF  }
0xad: {  	[dreg:$0x0] =	wrdreg $0x60  }
0xae: {  	[dreg:$0x2] =	wrdreg s24  }
0xaf: {  	[dreg:$0x3] =	wrdreg s2  }
0xb0: {  	[dreg:$0x4] =	wrdreg $0x97A00  }
0xb1: {  	[dreg:$0x5] =	wrdreg $0x9  }
0xb2: {  	_ =	task.clear_ibuf [dreg:s7], $0x6FFFF;
	_ =	strace $0x90000046  }
0xb3: {  	s29 =	simm.s32 $0x9;
	_ =	strace $0x80000048  }
0xb4: {  	_ =	swait.ge [sflag:s29], $0x1  }
0xb5: {  	[sflag:s29] =	ssyncadd.s32 $0xFFFFFFFF  }
0xb6: {  	_ =	strace $0x90000048  }
0xb7: {  	_ =	sfence  }
0xb8: {  	s30 =	sld [smem:$0x0];
	_ =	sdelay $0x2  }
0xb9: {  	s31 =	sshll.u32 s1, $0xD;
	s1 =	sshrl.u32 s1, $0x2  }
0xba: {  	s3 =	sand.u32 $0x4000, s31;
	s1 =	sadd.s32 s1, s30  }
0xbb: {  	s0 =	sor.u32 s3, s0;
	s1 =	sshll.u32 s1, $0x11  }
0xbc: {  	s0 =	sor.u32 s1, s0  }
0xbd: {  	s0 =	sadd.s32 $0x8F2B, s0  }
0xbe: {  	[sflag:s0] =	ssyncadd.remote.s32 $0x1  }
0xbf: {  	_ =	sfence.sel $0xFFFF  }
0xc0: {  	[dreg:$0x0] =	wrdreg $0xFFFFFFFF;
	(pc) =	sbr.abs _section_cstart, $3  }
0xc1: {  	[dreg:$0x1] =	wrdreg $0xFFFFFFFF  }
0xc2: {  	_ =	task.clear_ibuf [dreg:s7], $0x2FFFF;
	_ =	strace $0x9FFFFFFF  }
0xc3: {  	(tm) =	ssettm $0x7FFFFFFF  }
tec
execute0_lowered:
.L_overlay_start_1:
0x0: {  	(tag) =	ssettag $0x1  }
0x1: {  	s1 =	rddreg [dreg:$0x0]  }
0x2: {  	s3 =	rddreg [dreg:$0x1]  }
0x3: {  	s4 =	rddreg [dreg:$0x2];
	s0 =	srdreg.scid  }
0x4: {  	s5 =	stileid.u32;
	s6 =	simm.s32 $0x0;
	s19 =	simm.s32 $0x2  }
0x5: {  	s20 =	simm.s32 $0x2710;
	s21 =	simm.s32 $0x4FA0;
	s22 =	simm.s32 $0x4E20  }
0x6: {  	s23 =	simm.s32 $0x4EA0;
	s24 =	simm.s32 $0x80;
	s25 =	simm.s32 $0x1  }
0x7: {  	s26 =	simm.s32 $0x4F20;
	s28 =	simm.s32 $0x0;
	s0 =	sand.u32 $0x1, s0  }
0x8: {  	s2 =	smul.u32 $0x15F90, s5;
	[smem:$0x7FF] =	sst s6;
	s6 =	sadd.s32 $0x58000, s1  }
0x9: {  	s7 =	sadd.s32 $0x58600, s1;
	s8 =	sadd.s32 $0x9E00, s1;
	s11 =	smul.u32 $0x57E40, s5  }
0xa: {  	s9 =	smul.u32 $0x15F900, s0;
	s10 =	sshll.u32 s0, $0x4;
	s0 =	ssub.s32 $0x2, s0  }
0xb: {  	_ =	strace $0x80000047;
	s10 =	sor.u32 s5, s10;
	s13 =	sshrl.u32 s0, $0x1  }
0xc: {  	s11 =	sshrl.u32 s11, $0x2;
	s9 =	sadd.s32 s2, s9;
	s0 =	ssub.s32 s0, s13  }
0xd: {  	s30 =	sadd.s32 s11, s4;
	s12 =	sshrl.u32 s9, $0x3;
	s9 =	smul.u32 $0x2710, s10  }
0xe: {  	s10 =	sadd.s32 s2, s4;
	s11 =	sadd.s32 $0x4650, s30;
	s13 =	sadd.s32 $0xD2F0, s30  }
0xf: {  	s14 =	sadd.s32 $0x11940, s30;
	s18 =	smax.u32 s0, $0x1;
	s31 =	sshrl.u32 s9, $0x3  }
0x10: {  	s17 =	sadd.s32 s12, s1;
	s12 =	sadd.s32 $0x8CA0, s30;
	s16 =	sadd.s32 $0x4E0, s31  }
0x11: {  	v0 =	vimm.f32 $0.0e+00;
	v1 =	vimm.s32 $0x0;
	s17 =	sadd.s32 $0x58C00, s17;
	s15 =	sadd.s32 s1, s16;
	s16 =	sadd.s32 s3, s16  }
.LBB2_1:
0x12: {  	s0 =	simm.s32 $0x0  }
0x13: {  	[tilespmem:s0], [sflag:$0x2] =	stream.linear.gather [hbm4b:s6+s0], $0x2710, $0x38;
	[tilespmem:$0x1F730] =	vst v63  }
0x14: {  	_ =	swait.ge [sflag:s19], $0x2710  }
0x15: {  	[sflag:s19] =	ssyncset.done $0x0  }
0x16: {  	[sflag:s19] =	ssyncadd.s32 $0xFFFFD8F0  }
0x17: {  	[tilespmem:s20], [sflag:$0x2] =	stream.linear.gather [hbm4b:s7+s0], $0x2710, $0x38;
	[tilespmem:$0x1F730] =	vst v63  }
0x18: {  	_ =	swait.ge [sflag:s19], $0x2710  }
0x19: {  	[sflag:s19] =	ssyncset.done $0x0  }
0x1a: {  	s2 =	simm.s32 $0x240;
	s0 =	simm.s32 $0x0;
	[sflag:s19] =	ssyncadd.s32 $0xFFFFD8F0  }
.LBB2_2:
0x1b: {  	p0 =	sne.s32 s2, $0x11DC0;
	[tilespmem:s0+$0x5020] =	vst v0  }
0x1c: {  	[tilespmem:s0+$0x4FA0] =	vst v0  }
0x1d: {  	[tilespmem:s0+$0x4FB0] =	vst v0  }
0x1e: {  	[tilespmem:s0+$0x4FC0] =	vst v0  }
.Ltmp0:
0x1f: {  	[tilespmem:s0+$0x4FD0] =	vst v0;
	(pc) =	sbr.rel @p0 .LBB2_2-.Ltmp0, $4  }
0x20: {  	[tilespmem:s0+$0x4FE0] =	vst v0  }
0x21: {  	[tilespmem:s0+$0x4FF0] =	vst v0  }
0x22: {  	[tilespmem:s0+$0x5000] =	vst v0  }
0x23: {  	[tilespmem:s0+$0x5010] =	vst v0;
	s0 =	sshra.s32 s2, $0x2;
	s2 =	sadd.s32 $0x240, s2  }
0x24: {  	[tilespmem:s0+$0x5020] =	vst v0  }
0x25: {  	[tilespmem:s0+$0x4FA0] =	vst v0  }
0x26: {  	[tilespmem:s0+$0x4FB0] =	vst v0  }
0x27: {  	[tilespmem:s0+$0x4FC0] =	vst v0  }
0x28: {  	[tilespmem:s0+$0x4FD0] =	vst v0  }
0x29: {  	[tilespmem:s0+$0x4FE0] =	vst v0  }
0x2a: {  	[tilespmem:s0+$0x4FF0] =	vst v0  }
0x2b: {  	[tilespmem:s0+$0x5000] =	vst v0  }
0x2c: {  	[tilespmem:s0+$0x5010] =	vst v0  }
0x2d: {  	[spmem:s10] =	stream.linear.scatter [tilespmem:s21], [sflag:$0x2], $0x4650, $0x38;
	[tilespmem:$0x1F730] =	vst v63  }
0x2e: {  	_ =	swait.ge [sflag:s19], $0x4650  }
0x2f: {  	[sflag:s19] =	ssyncset.done $0x0  }
0x30: {  	[sflag:s19] =	ssyncadd.s32 $0xFFFFB9B0  }
0x31: {  	[spmem:s11] =	stream.linear.scatter [tilespmem:s21], [sflag:$0x2], $0x4650, $0x38;
	[tilespmem:$0x1F730] =	vst v63  }
0x32: {  	_ =	swait.ge [sflag:s19], $0x4650  }
0x33: {  	[sflag:s19] =	ssyncset.done $0x0  }
0x34: {  	[sflag:s19] =	ssyncadd.s32 $0xFFFFB9B0  }
0x35: {  	[spmem:s12] =	stream.linear.scatter [tilespmem:s21], [sflag:$0x2], $0x4650, $0x38;
	[tilespmem:$0x1F730] =	vst v63  }
0x36: {  	_ =	swait.ge [sflag:s19], $0x4650  }
0x37: {  	[sflag:s19] =	ssyncset.done $0x0  }
0x38: {  	[sflag:s19] =	ssyncadd.s32 $0xFFFFB9B0  }
0x39: {  	[spmem:s13] =	stream.linear.scatter [tilespmem:s21], [sflag:$0x2], $0x4650, $0x38;
	[tilespmem:$0x1F730] =	vst v63  }
0x3a: {  	_ =	swait.ge [sflag:s19], $0x4650  }
0x3b: {  	[sflag:s19] =	ssyncset.done $0x0  }
0x3c: {  	[sflag:s19] =	ssyncadd.s32 $0xFFFFB9B0  }
0x3d: {  	[spmem:s14] =	stream.linear.scatter [tilespmem:s21], [sflag:$0x2], $0x4650, $0x38;
	[tilespmem:$0x1F730] =	vst v63  }
0x3e: {  	_ =	swait.ge [sflag:s19], $0x4650  }
0x3f: {  	[sflag:s19] =	ssyncset.done $0x0  }
0x40: {  	s0 =	simm.s32 $0x0;
	[sflag:s19] =	ssyncadd.s32 $0xFFFFB9B0  }
0x41: {  	v2 =	vimm.f32 $-Inf;
	s2 =	simm.s32 $0x40;
	v3 =	vimm.f32 $-Inf;
	v4 =	vld [tilespmem:s0+$0x0]  }
.LBB2_4:
0x42: {  	p0 =	sne.s32 s2, $0x9C00  }
.Ltmp1:
0x43: {  	_ = 	snop;
	(pc) =	sbr.rel @p0 .LBB2_4-.Ltmp1, $3  }
0x44: {  	_ =	sdelay $0x1  }
0x45: {  	s29 =	sshra.s32 s2, $0x2;
	s2 =	sadd.s32 $0x40, s2;
	v3 =	vmax.f32 v3, v4  }
0x46: {  	v4 =	vld [tilespmem:s29+$0x0]  }
0x47: {  	_ =	sdelay $0x3  }
0x48: {  	s2 =	simm.s32 $0x40;
	v3 =	vmax.f32 v3, v4;
	v4 =	vld [tilespmem:s0+$0x2710]  }
.LBB2_6:
0x49: {  	p0 =	sne.s32 s2, $0x9C00  }
.Ltmp2:
0x4a: {  	_ = 	snop;
	(pc) =	sbr.rel @p0 .LBB2_6-.Ltmp2, $3  }
0x4b: {  	_ =	sdelay $0x1  }
0x4c: {  	s0 =	sshra.s32 s2, $0x2;
	s2 =	sadd.s32 $0x40, s2;
	v2 =	vmax.f32 v2, v4  }
0x4d: {  	v4 =	vld [tilespmem:s0+$0x2710]  }
0x4e: {  	_ =	sdelay $0x3  }
0x4f: {  	(xrf0) =	vmax.scan.msk.f32 $0xffff, v3;
	v2 =	vmax.f32 v2, v4  }
0x50: {  	(xrf0) =	vmax.scan.msk.f32 $0xffff, v2;
	_ =	sdelay $0x4  }
0x51: {  	v2, _, _ =	vpop (xrf0)  }
0x52: {  	(v2sf) =	vpush v2, $0xF;
	v2, _, _ =	vpop (xrf0)  }
0x53: {  	(v2sf) =	vpush v2, $0xF;
	_ =	sdelay $0xd  }
0x54: {  	s0 =	spop (v2sf)  }
0x55: {  	s2 =	spop (v2sf)  }
0x56: {  	s0 =	sadd.f32 s2, s0;
	_ =	sdelay $0x1  }
0x57: {  	p0 =	sge.f32 s0, $0.0e+00;
	s2 =	smul.f32 $2.000000030e-01, s0  }
0x58: {  	_ = 	snop  }
0x59: {  	s2 =	smov.u32 @p0 s0  }
0x5a: {  	s29 =	simm.s32 $0x0;
	s30 =	simm.s32 $0x0;
	[bflag:$0x0] =	sbarrier.arrive $0xFFFF;
	v2 =	vmov s2  }
.LBB2_8:
0x5b: {  	s0 =	sshll.u32 s30, $0x7  }
0x5c: {  	s0 =	sadd.s32 s9, s0  }
0x5d: {  	s0 =	sshrl.u32 s0, $0x3  }
0x5e: {  	s2 =	sadd.s32 s1, s0  }
0x5f: {  	[tilespmem:s22], [sflag:$0x2] =	stream.linear.gather [hbm4b:s2+s29], $0x80, $0x38;
	[tilespmem:$0x1F730] =	vst v63  }
0x60: {  	_ =	swait.ge [sflag:s19], $0x80  }
0x61: {  	[sflag:s19] =	ssyncset.done $0x0  }
0x62: {  	s0 =	sadd.s32 s3, s0;
	[sflag:s19] =	ssyncadd.s32 $0xFFFFFF80  }
0x63: {  	[tilespmem:s23], [sflag:$0x2] =	stream.linear.gather [hbm4b:s0+s29], $0x80, $0x38;
	[tilespmem:$0x1F730] =	vst v63  }
0x64: {  	_ =	swait.ge [sflag:s19], $0x80  }
0x65: {  	[sflag:s19] =	ssyncset.done $0x0  }
0x66: {  	[sflag:s19] =	ssyncadd.s32 $0xFFFFFF80  }
0x67: {  	[tilespmem:s21], [sflag:$0x1] =	stream.indirect.gather [hbm4b:s8+s24], $0x90, s22, s24, $0xb8;
	[tilespmem:$0x1F730] =	vst v63  }
0x68: {  	v3 =	vld [tilespmem:$0x4E20]  }
0x69: {  	v4 =	vld [tilespmem:$0x4EA0];
	_ =	sdelay $0x6  }
0x6a: {  	v3 =	vld.idx.msk [tilespmem:v3+s29+$0x0], $0xffff  }
0x6b: {  	v4 =	vld.idx.msk [tilespmem:v4+s20+$0x0], $0xffff;
	_ =	sdelay $0x4  }
0x6c: {  	v3 =	vadd.f32 v4, v3;
	_ =	sdelay $0x1  }
0x6d: {  	v4 =	vmul.f32 $2.000000030e-01, v3  }
0x6e: {  	vm0 =	vge.f32 v3, $0.0e+00  }
0x6f: {  	v3 =	vsel vm0, v3, v4  }
0x70: {  	v3 =	vsub.f32 v3, v2;
	_ =	sdelay $0x1  }
0x71: {  	v3 =	vmul.f32 $1.442695020e+00, v3;
	_ =	sdelay $0x1  }
0x72: {  	(erf) = vpow2.f32 v3;
	_ =	sdelay $0x2  }
0x73: {  	v3 =	vld [tilespmem:$0x4E30]  }
0x74: {  	v4 =	vld [tilespmem:$0x4EB0];
	_ =	sdelay $0x4  }
0x75: {  	v5 =	vpop (erf)  }
0x76: {  	[tilespmem:$0x4F20] =	vst v5  }
0x77: {  	v3 =	vld.idx.msk [tilespmem:v3+s29+$0x0], $0xffff  }
0x78: {  	v4 =	vld.idx.msk [tilespmem:v4+s20+$0x0], $0xffff;
	_ =	sdelay $0x4  }
0x79: {  	v3 =	vadd.f32 v4, v3;
	_ =	sdelay $0x1  }
0x7a: {  	v4 =	vmul.f32 $2.000000030e-01, v3  }
0x7b: {  	vm9 =	vge.f32 v3, $0.0e+00  }
0x7c: {  	v3 =	vsel vm9, v3, v4  }
0x7d: {  	v3 =	vsub.f32 v3, v2;
	_ =	sdelay $0x1  }
0x7e: {  	v3 =	vmul.f32 $1.442695020e+00, v3;
	_ =	sdelay $0x1  }
0x7f: {  	(erf) = vpow2.f32 v3;
	_ =	sdelay $0x2  }
0x80: {  	v3 =	vld [tilespmem:$0x4E40]  }
0x81: {  	v4 =	vld [tilespmem:$0x4EC0];
	_ =	sdelay $0x4  }
0x82: {  	v5 =	vpop (erf)  }
0x83: {  	[tilespmem:$0x4F30] =	vst v5  }
0x84: {  	v3 =	vld.idx.msk [tilespmem:v3+s29+$0x0], $0xffff  }
0x85: {  	v4 =	vld.idx.msk [tilespmem:v4+s20+$0x0], $0xffff;
	_ =	sdelay $0x4  }
0x86: {  	v3 =	vadd.f32 v4, v3;
	_ =	sdelay $0x1  }
0x87: {  	v4 =	vmul.f32 $2.000000030e-01, v3  }
0x88: {  	vm10 =	vge.f32 v3, $0.0e+00  }
0x89: {  	v3 =	vsel vm10, v3, v4  }
0x8a: {  	v3 =	vsub.f32 v3, v2;
	_ =	sdelay $0x1  }
0x8b: {  	v3 =	vmul.f32 $1.442695020e+00, v3;
	_ =	sdelay $0x1  }
0x8c: {  	(erf) = vpow2.f32 v3;
	_ =	sdelay $0x2  }
0x8d: {  	v3 =	vld [tilespmem:$0x4E50]  }
0x8e: {  	v4 =	vld [tilespmem:$0x4ED0];
	_ =	sdelay $0x4  }
0x8f: {  	v5 =	vpop (erf)  }
0x90: {  	[tilespmem:$0x4F40] =	vst v5  }
0x91: {  	v3 =	vld.idx.msk [tilespmem:v3+s29+$0x0], $0xffff  }
0x92: {  	v4 =	vld.idx.msk [tilespmem:v4+s20+$0x0], $0xffff;
	_ =	sdelay $0x4  }
0x93: {  	v3 =	vadd.f32 v4, v3;
	_ =	sdelay $0x1  }
0x94: {  	v4 =	vmul.f32 $2.000000030e-01, v3  }
0x95: {  	vm11 =	vge.f32 v3, $0.0e+00  }
0x96: {  	v3 =	vsel vm11, v3, v4  }
0x97: {  	v3 =	vsub.f32 v3, v2;
	_ =	sdelay $0x1  }
0x98: {  	v3 =	vmul.f32 $1.442695020e+00, v3;
	_ =	sdelay $0x1  }
0x99: {  	(erf) = vpow2.f32 v3;
	_ =	sdelay $0x2  }
0x9a: {  	v3 =	vld [tilespmem:$0x4E60]  }
0x9b: {  	v4 =	vld [tilespmem:$0x4EE0];
	_ =	sdelay $0x4  }
0x9c: {  	v5 =	vpop (erf)  }
0x9d: {  	[tilespmem:$0x4F50] =	vst v5  }
0x9e: {  	v3 =	vld.idx.msk [tilespmem:v3+s29+$0x0], $0xffff  }
0x9f: {  	v4 =	vld.idx.msk [tilespmem:v4+s20+$0x0], $0xffff;
	_ =	sdelay $0x4  }
0xa0: {  	v3 =	vadd.f32 v4, v3;
	_ =	sdelay $0x1  }
0xa1: {  	v4 =	vmul.f32 $2.000000030e-01, v3  }
0xa2: {  	vm12 =	vge.f32 v3, $0.0e+00  }
0xa3: {  	v3 =	vsel vm12, v3, v4  }
0xa4: {  	v3 =	vsub.f32 v3, v2;
	_ =	sdelay $0x1  }
0xa5: {  	v3 =	vmul.f32 $1.442695020e+00, v3;
	_ =	sdelay $0x1  }
0xa6: {  	(erf) = vpow2.f32 v3;
	_ =	sdelay $0x2  }
0xa7: {  	v3 =	vld [tilespmem:$0x4E70]  }
0xa8: {  	v4 =	vld [tilespmem:$0x4EF0];
	_ =	sdelay $0x4  }
0xa9: {  	v5 =	vpop (erf)  }
0xaa: {  	[tilespmem:$0x4F60] =	vst v5  }
0xab: {  	v3 =	vld.idx.msk [tilespmem:v3+s29+$0x0], $0xffff  }
0xac: {  	v4 =	vld.idx.msk [tilespmem:v4+s20+$0x0], $0xffff;
	_ =	sdelay $0x4  }
0xad: {  	v3 =	vadd.f32 v4, v3;
	_ =	sdelay $0x1  }
0xae: {  	v4 =	vmul.f32 $2.000000030e-01, v3  }
0xaf: {  	vm13 =	vge.f32 v3, $0.0e+00  }
0xb0: {  	v3 =	vsel vm13, v3, v4  }
0xb1: {  	v3 =	vsub.f32 v3, v2;
	_ =	sdelay $0x1  }
0xb2: {  	v3 =	vmul.f32 $1.442695020e+00, v3;
	_ =	sdelay $0x1  }
0xb3: {  	(erf) = vpow2.f32 v3;
	_ =	sdelay $0x2  }
0xb4: {  	v3 =	vld [tilespmem:$0x4E80]  }
0xb5: {  	v4 =	vld [tilespmem:$0x4F00];
	_ =	sdelay $0x4  }
0xb6: {  	v5 =	vpop (erf)  }
0xb7: {  	[tilespmem:$0x4F70] =	vst v5  }
0xb8: {  	v3 =	vld.idx.msk [tilespmem:v3+s29+$0x0], $0xffff  }
0xb9: {  	v4 =	vld.idx.msk [tilespmem:v4+s20+$0x0], $0xffff;
	_ =	sdelay $0x4  }
0xba: {  	v3 =	vadd.f32 v4, v3;
	_ =	sdelay $0x1  }
0xbb: {  	v4 =	vmul.f32 $2.000000030e-01, v3  }
0xbc: {  	vm14 =	vge.f32 v3, $0.0e+00  }
0xbd: {  	v3 =	vsel vm14, v3, v4  }
0xbe: {  	v3 =	vsub.f32 v3, v2;
	_ =	sdelay $0x1  }
0xbf: {  	v3 =	vmul.f32 $1.442695020e+00, v3;
	_ =	sdelay $0x1  }
0xc0: {  	(erf) = vpow2.f32 v3;
	_ =	sdelay $0x2  }
0xc1: {  	v3 =	vld [tilespmem:$0x4E90]  }
0xc2: {  	v4 =	vld [tilespmem:$0x4F10];
	_ =	sdelay $0x4  }
0xc3: {  	v5 =	vpop (erf)  }
0xc4: {  	[tilespmem:$0x4F80] =	vst v5  }
0xc5: {  	v3 =	vld.idx.msk [tilespmem:v3+s29+$0x0], $0xffff  }
0xc6: {  	v4 =	vld.idx.msk [tilespmem:v4+s20+$0x0], $0xffff;
	_ =	sdelay $0x4  }
0xc7: {  	v3 =	vadd.f32 v4, v3;
	_ =	sdelay $0x1  }
0xc8: {  	v4 =	vmul.f32 $2.000000030e-01, v3  }
0xc9: {  	vm15 =	vge.f32 v3, $0.0e+00  }
0xca: {  	v3 =	vsel vm15, v3, v4  }
0xcb: {  	v3 =	vsub.f32 v3, v2;
	_ =	sdelay $0x1  }
0xcc: {  	v3 =	vmul.f32 $1.442695020e+00, v3;
	_ =	sdelay $0x1  }
0xcd: {  	(erf) = vpow2.f32 v3;
	_ =	sdelay $0x8  }
0xce: {  	v3 =	vpop (erf)  }
0xcf: {  	[tilespmem:$0x4F90] =	vst v3  }
0xd0: {  	_ =	swait.ge [sflag:s25], $0x4800  }
0xd1: {  	[sflag:s25] =	ssyncset.done $0x0  }
0xd2: {  	s31 =	simm.s32 $0x4FE0;
	v3 =	vmov s29;
	[sflag:s25] =	ssyncadd.s32 $0xFFFFB800  }
0xd3: {  	v8 =	vld [tilespmem:s31+$0xFFFFFFC0]  }
0xd4: {  	v11 =	vld [tilespmem:s31+$0x30]  }
0xd5: {  	v9 =	vld [tilespmem:s31+$0x40]  }
0xd6: {  	v13 =	vld [tilespmem:s31+$0xFFFFFFE0]  }
0xd7: {  	v4 =	vld.idx.msk [tilespmem:v3+s26+$0x0], $0xffff  }
0xd8: {  	v5 =	vld [tilespmem:s31+$0x20]  }
0xd9: {  	v6 =	vld [tilespmem:s31+$0xFFFFFFD0]  }
0xda: {  	v7 =	vld [tilespmem:s31+$0x10]  }
0xdb: {  	v3 =	vld [tilespmem:s31+$0xFFFFFFF0]  }
0xdc: {  	v12 =	vmul.f32 v8, v4;
	v10 =	vmul.f32 v9, v4;
	v8 =	vld [tilespmem:s31+$0x0]  }
0xdd: {  	s2 =	simm.s32 $0x4FE0;
	s0 =	simm.s32 $0x1;
	v9 =	vmul.f32 v13, v4;
	v11 =	vmul.f32 v11, v4  }
.LBB2_9:
0xde: {  	p0 =	sne.s32 s0, $0x7F  }
0xdf: {  	[tilespmem:s31+$0xFFFFFFC0] =	vst v12;
	v6 =	vmul.f32 v6, v4;
	v5 =	vmul.f32 v5, v4;
	s2 =	sadd.s32 $0x90, s2;
	s5 =	smov.u32 s0;
	s0 =	sadd.s32 $0x1, s0  }
0xe0: {  	v12 =	vmul.f32 v3, v4;
	v3 =	vmul.f32 v7, v4;
	[tilespmem:s31+$0x40] =	vst v10  }
0xe1: {  	v4 =	vmul.f32 v8, v4;
	[tilespmem:s31+$0x30] =	vst v11  }
0xe2: {  	[tilespmem:s31+$0xFFFFFFE0] =	vst v9  }
0xe3: {  	v7 =	vmov s5;
	[tilespmem:s31+$0x10] =	vst v3  }
0xe4: {  	v3 =	vld [tilespmem:s2+$0xFFFFFFF0];
	[tilespmem:s31+$0x0] =	vst v4  }
0xe5: {  	v9 =	vld [tilespmem:s2+$0xFFFFFFC0];
	[tilespmem:s31+$0xFFFFFFF0] =	vst v12  }
0xe6: {  	v11 =	vld [tilespmem:s2+$0x30];
	[tilespmem:s31+$0x20] =	vst v5  }
0xe7: {  	v10 =	vld [tilespmem:s2+$0x40];
	[tilespmem:s31+$0xFFFFFFD0] =	vst v6;
	s31 =	smov.u32 s2  }
0xe8: {  	v4 =	vld.idx.msk [tilespmem:v7+s26+$0x0], $0xffff  }
0xe9: {  	v13 =	vld [tilespmem:s2+$0xFFFFFFE0]  }
0xea: {  	v5 =	vld [tilespmem:s2+$0x20]  }
.Ltmp3:
0xeb: {  	v6 =	vld [tilespmem:s2+$0xFFFFFFD0];
	(pc) =	sbr.rel @p0 .LBB2_9-.Ltmp3, $4  }
0xec: {  	v7 =	vld [tilespmem:s2+$0x10]  }
0xed: {  	v8 =	vld [tilespmem:s2+$0x0]  }
0xee: {  	v12 =	vmul.f32 v9, v4;
	v10 =	vmul.f32 v10, v4  }
0xef: {  	v11 =	vmul.f32 v11, v4;
	v9 =	vmul.f32 v13, v4  }
0xf0: {  	[tilespmem:s31+$0xFFFFFFC0] =	vst v12  }
0xf1: {  	[tilespmem:s31+$0x40] =	vst v10  }
0xf2: {  	v3 =	vmul.f32 v3, v4;
	[tilespmem:s31+$0x30] =	vst v11  }
0xf3: {  	v5 =	vmul.f32 v5, v4;
	[tilespmem:s31+$0xFFFFFFE0] =	vst v9  }
0xf4: {  	v63 =	vmul.f32 v6, v4;
	[tilespmem:s31+$0xFFFFFFF0] =	vst v3  }
0xf5: {  	v7 =	vmul.f32 v7, v4;
	[tilespmem:s31+$0x20] =	vst v5  }
0xf6: {  	s30 =	sadd.s32 $0x1, s30;
	v8 =	vmul.f32 v8, v4;
	[tilespmem:s31+$0xFFFFFFD0] =	vst v63  }
0xf7: {  	p0 =	sne.s32 s30, $0x4E;
	[tilespmem:s31+$0x10] =	vst v7  }
.Ltmp4:
0xf8: {  	[tilespmem:s31+$0x0] =	vst v8;
	(pc) =	sbr.rel @p0 .LBB2_8-.Ltmp4, $4  }
0xf9: {  	[spmem:s4] =	stream.indirect.scatter.add.f32 [tilespmem:s21], [sflag:$0x2], $0x90, s23, s24, $0xb8;
	[tilespmem:$0x1F730] =	vst v63  }
0xfa: {  	_ =	swait.ge [sflag:s19], $0x4800  }
0xfb: {  	[sflag:s19] =	ssyncset.done $0x0  }
0xfc: {  	[sflag:s19] =	ssyncadd.s32 $0xFFFFB800  }
0xfd: {  	[tilespmem:$0x4E20] =	vst v1  }
0xfe: {  	[tilespmem:$0x4EA0] =	vst v1  }
0xff: {  	[tilespmem:$0x4F20] =	vst v0  }
0x100: {  	[tilespmem:$0x4E30] =	vst v1  }
0x101: {  	[tilespmem:$0x4EB0] =	vst v1  }
0x102: {  	[tilespmem:$0x4F30] =	vst v0  }
0x103: {  	[tilespmem:$0x4E40] =	vst v1  }
0x104: {  	[tilespmem:$0x4EC0] =	vst v1  }
0x105: {  	[tilespmem:$0x4F40] =	vst v0  }
0x106: {  	[tilespmem:$0x4E50] =	vst v1  }
0x107: {  	[tilespmem:$0x4ED0] =	vst v1  }
0x108: {  	[tilespmem:$0x4F50] =	vst v0  }
0x109: {  	[tilespmem:$0x4E60] =	vst v1  }
0x10a: {  	[tilespmem:$0x4EE0] =	vst v1  }
0x10b: {  	[tilespmem:$0x4F60] =	vst v0  }
0x10c: {  	[tilespmem:$0x4E70] =	vst v1  }
0x10d: {  	[tilespmem:$0x4EF0] =	vst v1  }
0x10e: {  	[tilespmem:$0x4F70] =	vst v0  }
0x10f: {  	[tilespmem:$0x4E80] =	vst v1  }
0x110: {  	[tilespmem:$0x4F00] =	vst v1  }
0x111: {  	[tilespmem:$0x4F80] =	vst v0  }
0x112: {  	[tilespmem:$0x4E90] =	vst v1  }
0x113: {  	[tilespmem:$0x4F10] =	vst v1  }
0x114: {  	[tilespmem:$0x4F90] =	vst v0;
	s0 =	simm.s32 $0x0  }
0x115: {  	[tilespmem:s22], [sflag:$0x2] =	stream.linear.gather [hbm4b:s15+s0], $0x10, $0x38;
	[tilespmem:$0x1F730] =	vst v63  }
0x116: {  	_ =	swait.ge [sflag:s19], $0x10  }
0x117: {  	[sflag:s19] =	ssyncset.done $0x0  }
0x118: {  	[sflag:s19] =	ssyncadd.s32 $0xFFFFFFF0  }
0x119: {  	[tilespmem:s23], [sflag:$0x2] =	stream.linear.gather [hbm4b:s16+s0], $0x10, $0x38;
	[tilespmem:$0x1F730] =	vst v63  }
0x11a: {  	_ =	swait.ge [sflag:s19], $0x10  }
0x11b: {  	[sflag:s19] =	ssyncset.done $0x0  }
0x11c: {  	[sflag:s19] =	ssyncadd.s32 $0xFFFFFFF0  }
0x11d: {  	[tilespmem:s21], [sflag:$0x1] =	stream.indirect.gather [hbm4b:s8+s24], $0x90, s22, s24, $0xb8;
	[tilespmem:$0x1F730] =	vst v63  }
0x11e: {  	v3 =	vld [tilespmem:$0x4E20]  }
0x11f: {  	v4 =	vld [tilespmem:$0x4EA0];
	_ =	sdelay $0x6  }
0x120: {  	v3 =	vld.idx.msk [tilespmem:v3+s0+$0x0], $0xffff  }
0x121: {  	v4 =	vld.idx.msk [tilespmem:v4+s20+$0x0], $0xffff;
	_ =	sdelay $0x4  }
0x122: {  	v3 =	vadd.f32 v4, v3;
	_ =	sdelay $0x1  }
0x123: {  	v4 =	vmul.f32 $2.000000030e-01, v3  }
0x124: {  	vm0 =	vge.f32 v3, $0.0e+00  }
0x125: {  	v3 =	vsel vm0, v3, v4  }
0x126: {  	v2 =	vsub.f32 v3, v2;
	_ =	sdelay $0x1  }
0x127: {  	v2 =	vmul.f32 $1.442695020e+00, v2;
	_ =	sdelay $0x1  }
0x128: {  	(erf) = vpow2.f32 v2;
	_ =	sdelay $0x8  }
0x129: {  	v2 =	vpop (erf)  }
0x12a: {  	[tilespmem:$0x4F20] =	vst v2  }
0x12b: {  	_ =	swait.ge [sflag:s25], $0x4800  }
0x12c: {  	[sflag:s25] =	ssyncset.done $0x0  }
0x12d: {  	s29 =	simm.s32 $0x4FE0;
	v2 =	vmov s0;
	[sflag:s25] =	ssyncadd.s32 $0xFFFFB800  }
0x12e: {  	v7 =	vld [tilespmem:s29+$0xFFFFFFC0]  }
0x12f: {  	v10 =	vld [tilespmem:s29+$0x30]  }
0x130: {  	v8 =	vld [tilespmem:s29+$0x40]  }
0x131: {  	v12 =	vld [tilespmem:s29+$0xFFFFFFE0]  }
0x132: {  	v3 =	vld.idx.msk [tilespmem:v2+s26+$0x0], $0xffff  }
0x133: {  	v4 =	vld [tilespmem:s29+$0x20]  }
0x134: {  	v5 =	vld [tilespmem:s29+$0xFFFFFFD0]  }
0x135: {  	v6 =	vld [tilespmem:s29+$0x10]  }
0x136: {  	v2 =	vld [tilespmem:s29+$0xFFFFFFF0]  }
0x137: {  	v11 =	vmul.f32 v7, v3;
	v9 =	vmul.f32 v8, v3;
	v7 =	vld [tilespmem:s29+$0x0]  }
0x138: {  	s2 =	simm.s32 $0x4FE0;
	s0 =	simm.s32 $0x1;
	v8 =	vmul.f32 v12, v3;
	v10 =	vmul.f32 v10, v3  }
.LBB2_12:
0x139: {  	p0 =	sne.s32 s0, $0x7F  }
0x13a: {  	[tilespmem:s29+$0xFFFFFFC0] =	vst v11;
	v5 =	vmul.f32 v5, v3;
	v4 =	vmul.f32 v4, v3;
	s2 =	sadd.s32 $0x90, s2;
	s5 =	smov.u32 s0;
	s0 =	sadd.s32 $0x1, s0  }
0x13b: {  	v11 =	vmul.f32 v2, v3;
	v2 =	vmul.f32 v6, v3;
	[tilespmem:s29+$0x40] =	vst v9  }
0x13c: {  	v3 =	vmul.f32 v7, v3;
	[tilespmem:s29+$0x30] =	vst v10  }
0x13d: {  	[tilespmem:s29+$0xFFFFFFE0] =	vst v8  }
0x13e: {  	v6 =	vmov s5;
	[tilespmem:s29+$0x10] =	vst v2  }
0x13f: {  	v2 =	vld [tilespmem:s2+$0xFFFFFFF0];
	[tilespmem:s29+$0x0] =	vst v3  }
0x140: {  	v8 =	vld [tilespmem:s2+$0xFFFFFFC0];
	[tilespmem:s29+$0xFFFFFFF0] =	vst v11  }
0x141: {  	v10 =	vld [tilespmem:s2+$0x30];
	[tilespmem:s29+$0x20] =	vst v4  }
0x142: {  	v9 =	vld [tilespmem:s2+$0x40];
	[tilespmem:s29+$0xFFFFFFD0] =	vst v5;
	s29 =	smov.u32 s2  }
0x143: {  	v3 =	vld.idx.msk [tilespmem:v6+s26+$0x0], $0xffff  }
0x144: {  	v12 =	vld [tilespmem:s2+$0xFFFFFFE0]  }
0x145: {  	v4 =	vld [tilespmem:s2+$0x20]  }
.Ltmp5:
0x146: {  	v5 =	vld [tilespmem:s2+$0xFFFFFFD0];
	(pc) =	sbr.rel @p0 .LBB2_12-.Ltmp5, $4  }
0x147: {  	v6 =	vld [tilespmem:s2+$0x10]  }
0x148: {  	v7 =	vld [tilespmem:s2+$0x0]  }
0x149: {  	v11 =	vmul.f32 v8, v3;
	v9 =	vmul.f32 v9, v3  }
0x14a: {  	v10 =	vmul.f32 v10, v3;
	v8 =	vmul.f32 v12, v3  }
0x14b: {  	[tilespmem:s29+$0xFFFFFFC0] =	vst v11  }
0x14c: {  	[tilespmem:s29+$0x40] =	vst v9  }
0x14d: {  	v2 =	vmul.f32 v2, v3;
	[tilespmem:s29+$0x30] =	vst v10  }
0x14e: {  	v4 =	vmul.f32 v4, v3;
	[tilespmem:s29+$0xFFFFFFE0] =	vst v8  }
0x14f: {  	v6 =	vmul.f32 v6, v3;
	[tilespmem:s29+$0xFFFFFFF0] =	vst v2  }
0x150: {  	v7 =	vmul.f32 v7, v3;
	[tilespmem:s29+$0x20] =	vst v4  }
0x151: {  	v3 =	vmul.f32 v5, v3;
	[tilespmem:s29+$0x10] =	vst v6  }
0x152: {  	[tilespmem:s29+$0x0] =	vst v7  }
0x153: {  	[tilespmem:s29+$0xFFFFFFD0] =	vst v3  }
0x154: {  	[spmem:s4] =	stream.indirect.scatter.add.f32 [tilespmem:s21], [sflag:$0x2], $0x90, s23, s24, $0xb8;
	[tilespmem:$0x1F730] =	vst v63  }
0x155: {  	s0 =	stileid.u32;
	_ =	swait.ge [sflag:s19], $0x4800  }
0x156: {  	s2 =	sshrl.u32 s10, $0x3;
	s28 =	sadd.s32 $0x1, s28;
	[sflag:s19] =	ssyncset.done $0x0  }
0x157: {  	s0 =	sshll.u32 s0, $0x6;
	p0 =	sne.s32 s28, s18;
	[sflag:s19] =	ssyncadd.s32 $0xFFFFB800  }
.Ltmp6:
0x158: {  	s0 =	sor.u32 $0x1C02, s0;
	[bflag:$0x0] =	sbarrier.arrive $0xFFFF;
	(pc) =	sbr.rel @p0 .LBB2_1-.Ltmp6, $4  }
0x159: {  	[hbm:s17], [sflag:s0] =	dma.local [spmem:s2], $0x2BF2  }
0x15a: {  	_ =	swait.ge [sflag:s19], $0x2BF2  }
0x15b: {  	[sflag:s19] =	ssyncset.done $0x0  }
0x15c: {  	[sflag:s19] =	ssyncadd.s32 $0xFFFFD40E  }
0x15d: {  	_ =	sfence.sel $0x180000  }
0x15e: {  	[bflag:$0x0] =	sbarrier.arrive $0xFFFF  }
0x15f: {  	_ =	strace $0x90000047  }
0x160: {  	s0 =	stileid.u32;
	[bflag:$0x2] =	sbarrier.arrive $0xFFFF  }
0x161: {  	p0 =	sne.s32 s0, $0x0;
	s0 =	rddreg [dreg:$0x3]  }
0x162: {  	s0 =	sadd.s32 @!p0 $0x100000, s0  }
0x163: {  	[sflag:s0] =	ssyncadd.tile.s32 @!p0 $0x1;
	_ =	shalt  }
.Lfunc_end2:
_tile_overlayer_lowered:
.L_overlay_start_2:
0x164: {  	(tag) =	ssettag $0x2  }
0x165: {  	s0 =	rddreg [dreg:$0x0];
	s2 =	stileid.u32  }
0x166: {  	s1 =	rddreg [dreg:$0x1];
	p0 =	sne.s32 s2, $0x0  }
0x167: {  	s3 =	rddreg [dreg:$0x2];
	[bflag:$0x3] =	sbarrier.arrive $0xFFFF;
	s2 =	simm.s32 @!p0 $0x1C02  }
0x168: {  	[timem:s3], [sflag:s2] =	dma.local @!p0 [hbm:s0], s1  }
0x169: {  	s0 =	simm.s32 @!p0 $0x2  }
0x16a: {  	_ =	swait.ge @!p0 [sflag:s0], s1  }
0x16b: {  	s1 =	ssub.s32 @!p0 $0x0, s1;
	[sflag:s0] =	ssyncset.done @!p0 $0x0  }
0x16c: {  	[sflag:s0] =	ssyncadd.s32 @!p0 s1  }
0x16d: {  	[bflag:$0x3] =	sbarrier.arrive $0xFFFF  }
0x16e: {  	_ =	shalt  }

</sc_bundles>
